<compile_context>
chip_gen: v7x
topology: tpu7x:2x2x1
jax: 0.10.2.dev20260603
libtpu: 0.0.44.dev20260713+nightly
codegen_flags: <defaults>
</compile_context>

<pallas_src>
import functools

import jax
import jax.numpy as jnp
from jax import lax
from jax.experimental import pallas as pl
from jax.experimental.pallas import tpu as pltpu
from jax.experimental.pallas import tpu_sc as plsc

N_NODE = 10000
E = 320000
D_IN = 128
D_H = 16

NC = 2
NS = 16
NW = NC * NS
NPANEL = E // 128
NPW = NPANEL // NW
NEXTRA = NPANEL - NPW * NW



def _node_body(var_ref, con_ref, w1v, w1c, b1, w2, b2, w3, tv_ref, tc_ref):
    t = (jnp.dot(var_ref[:], w1v[:], precision=None)
         + jnp.dot(con_ref[:], w1c[:], precision=None) + b1[:])
    t = jnp.maximum(t, 0.0)
    t = jnp.maximum(jnp.dot(t, w2[:], precision=None) + b2[:], 0.0)
    t = jnp.dot(t, w3[:], precision=None)
    tv_ref[:] = t[:, :D_H]
    tc_ref[:] = t[:, D_H:]


def _edge_body(g4_ref, cef_ref, w1t_ref, b1_ref, w2t_ref, b2_ref, out_ref):
    pb = g4_ref.shape[0]
    n = 128 * pb
    gu = jnp.transpose(g4_ref[:, 0], (1, 0, 2)).reshape(8, n)
    gl = jnp.transpose(g4_ref[:, 1], (1, 0, 2)).reshape(8, n)
    g = jnp.concatenate([gu, gl], axis=0)
    x = jnp.dot(w1t_ref[:], cef_ref[:], precision=None) + g + b1_ref[:, 0:1]
    x = jnp.maximum(x, 0.0)
    out_ref[:] = jnp.dot(w2t_ref[:], x, precision=None) + b2_ref[:, 0:1]


def _gather_body(tv_hbm, tc_hbm, ei_hbm, g4_hbm,
                 idx_v, idx_c, idx_xv, idx_xc, rows_v, rows_c, stage,
                 sem_v, sem_c, sem_w):
    wid = lax.axis_index("s") * NC + lax.axis_index("c")
    p0 = wid * NPW
    pltpu.sync_copy(ei_hbm.at[0, pl.ds(p0, NPW)], idx_v)
    pltpu.sync_copy(ei_hbm.at[1, pl.ds(p0, NPW)], idx_c)

    iota16 = lax.iota(jnp.int32, 16)
    trv = iota16 // 8
    rv = iota16 % 8

    def fire(idxv_row, idxc_row, slot):
        pltpu.make_async_copy(tv_hbm.at[idxv_row], rows_v.at[slot],
                              sem_v.at[slot]).start()
        pltpu.make_async_copy(tc_hbm.at[idxc_row], rows_c.at[slot],
                              sem_c.at[slot]).start()

    def wait_gather(idxv_row, idxc_row, slot):
        pltpu.make_async_copy(tv_hbm.at[idxv_row], rows_v.at[slot],
                              sem_v.at[slot]).wait()
        pltpu.make_async_copy(tc_hbm.at[idxc_row], rows_c.at[slot],
                              sem_c.at[slot]).wait()

    def transpose_panel(slot, wslot):
        st = stage.at[wslot]

        def col_body(col, _):
            vv = rows_v[slot, col, :]
            vc = rows_c[slot, col, :]
            plsc.store_scatter(st, [trv, rv, jnp.full((16,), col, jnp.int32)],
                               vv + vc)
            return 0
        lax.fori_loop(0, 128, col_body, 0, unroll=4)

    def fire_write(slot, panel):
        pltpu.make_async_copy(stage.at[slot, :, :, pl.ds(0, 128)],
                              g4_hbm.at[panel], sem_w.at[slot]).start()

    def wait_write(slot, panel):
        pltpu.make_async_copy(stage.at[slot, :, :, pl.ds(0, 128)],
                              g4_hbm.at[panel], sem_w.at[slot]).wait()

    for q in range(3):
        fire(idx_v.at[q], idx_c.at[q], q)

    def body(p, _):
        slot = lax.rem(p, 4)
        wslot = lax.rem(p, 2)

        @pl.when(p + 3 < NPW)
        def _():
            fire(idx_v.at[p + 3], idx_c.at[p + 3], lax.rem(p + 3, 4))

        wait_gather(idx_v.at[p], idx_c.at[p], slot)

        @pl.when(p >= 2)
        def _():
            wait_write(wslot, p0 + p - 2)

        transpose_panel(slot, wslot)
        fire_write(wslot, p0 + p)
        return 0

    lax.fori_loop(0, NPW, body, 0)
    wait_write(0, p0 + NPW - 2)
    wait_write(1, p0 + NPW - 1)

    @pl.when(wid < NEXTRA)
    def _():
        xp = NW * NPW + wid
        pltpu.sync_copy(ei_hbm.at[0, pl.ds(xp, 1)], idx_xv)
        pltpu.sync_copy(ei_hbm.at[1, pl.ds(xp, 1)], idx_xc)
        fire(idx_xv.at[0], idx_xc.at[0], 0)
        wait_gather(idx_xv.at[0], idx_xc.at[0], 0)
        transpose_panel(0, 0)
        fire_write(0, xp)
        wait_write(0, xp)


_sc_gather = functools.partial(
    pl.kernel,
    out_type=jax.ShapeDtypeStruct((NPANEL, 2, 8, 128), jnp.float32),
    mesh=plsc.VectorSubcoreMesh(core_axis_name="c", subcore_axis_name="s"),
    scratch_types=[
        pltpu.VMEM((NPW, 128), jnp.int32),
        pltpu.VMEM((NPW, 128), jnp.int32),
        pltpu.VMEM((1, 128), jnp.int32),
        pltpu.VMEM((1, 128), jnp.int32),
        pltpu.VMEM((4, 128, D_H), jnp.float32),
        pltpu.VMEM((4, 128, D_H), jnp.float32),
        pltpu.VMEM((2, 2, 8, 129), jnp.float32),
        pltpu.SemaphoreType.DMA((4,)),
        pltpu.SemaphoreType.DMA((4,)),
        pltpu.SemaphoreType.DMA((2,)),
    ],
    compiler_params=pltpu.CompilerParams(use_tc_tiling_on_sc=False,
                                         needs_layout_passes=False),
)(_gather_body)


def kernel(var_f, con_f, combined_edge_f, edge_index_var_con,
           vW1, vb1, vW2, vb2, cW1, cb1, cW2, cb2, eW1, eb1, eW2, eb2):
    f32 = jnp.float32
    z = jnp.zeros((D_IN, D_H), f32)
    w1v = jnp.concatenate([vW1, z], axis=1)
    w1c = jnp.concatenate([z, cW1], axis=1)
    b1 = jnp.concatenate([vb1, cb1]).reshape(1, 2 * D_H)
    z2 = jnp.zeros((D_H, D_H), f32)
    w2 = jnp.block([[vW2, z2], [z2, cW2]])
    b2 = jnp.concatenate([vb2, cb2]).reshape(1, 2 * D_H)
    w3 = jnp.block([[eW1[D_H:2 * D_H], z2], [z2, eW1[2 * D_H:]]])

    tv, tc = pl.pallas_call(
        _node_body,
        out_shape=(
            jax.ShapeDtypeStruct((N_NODE, D_H), f32),
            jax.ShapeDtypeStruct((N_NODE, D_H), f32),
        ),
    )(var_f, con_f, w1v, w1c, b1, w2, b2, w3)

    ei = edge_index_var_con.astype(jnp.int32).reshape(2, NPANEL, 128)
    g4 = _sc_gather(tv, tc, ei)

    cefT = combined_edge_f.T
    w1t = eW1[:D_H].T
    w2t = eW2.T
    b1e = jnp.tile(eb1.reshape(D_H, 1), (1, 128))
    b2e = jnp.tile(eb2.reshape(D_H, 1), (1, 128))

    PB = 125
    outT = pl.pallas_call(
        _edge_body,
        grid=(NPANEL // PB,),
        in_specs=[
            pl.BlockSpec((PB, 2, 8, 128), lambda i: (i, 0, 0, 0)),
            pl.BlockSpec((D_H, 128 * PB), lambda i: (0, i)),
            pl.BlockSpec((D_H, D_H), lambda i: (0, 0)),
            pl.BlockSpec((D_H, 128), lambda i: (0, 0)),
            pl.BlockSpec((D_H, D_H), lambda i: (0, 0)),
            pl.BlockSpec((D_H, 128), lambda i: (0, 0)),
        ],
        out_specs=pl.BlockSpec((D_H, 128 * PB), lambda i: (0, i)),
        out_shape=jax.ShapeDtypeStruct((D_H, E), f32),
    )(g4, cefT, w1t, b1e, w2t, b2e)
    return outT.T

# --- scband reference (transcript-rebuilt; emitter-appended) ---
"""Pipeline reference for scband-edge-updater-979252543696 (READ-ONLY COPY).

The authoritative reference and input builder live on the scoring server;
editing this copy changes nothing except your own understanding.
"""

import jax, jax.numpy as jnp
import numpy as np

N_VAR = 10000
N_CON = 10000
E = 320000
D_VAR = 128
D_CON = 128
D_EDGE_IN = 16
D_EDGE_OUT = 16


def _linear_params(key, fan_in, fan_out):
    k1, k2 = jax.random.split(key)
    bound = 1.0 / np.sqrt(fan_in)
    W = jax.random.uniform(k1, (fan_in, fan_out), jnp.float32, -bound, bound)
    b = jax.random.uniform(k2, (fan_out,), jnp.float32, -bound, bound)
    return W, b


def setup_inputs(seed: int = 0) -> dict:
    key = jax.random.key(seed)
    ks = jax.random.split(key, 10)
    var_f = jax.random.normal(ks[0], (N_VAR, D_VAR), jnp.float32)
    con_f = jax.random.normal(ks[1], (N_CON, D_CON), jnp.float32)
    combined_edge_f = jax.random.normal(ks[2], (E, D_EDGE_IN), jnp.float32)
    ei_var = jax.random.randint(ks[3], (1, E), 0, N_VAR, jnp.int64 if jax.config.read('jax_enable_x64') else jnp.int32)
    ei_con = jax.random.randint(ks[4], (1, E), 0, N_CON, ei_var.dtype)
    edge_index_var_con = jnp.concatenate([ei_var, ei_con], axis=0)
    vW1, vb1 = _linear_params(ks[5], D_VAR, D_EDGE_OUT)
    vW2, vb2 = _linear_params(jax.random.fold_in(ks[5], 1), D_EDGE_OUT, D_EDGE_OUT)
    cW1, cb1 = _linear_params(ks[6], D_CON, D_EDGE_OUT)
    cW2, cb2 = _linear_params(jax.random.fold_in(ks[6], 1), D_EDGE_OUT, D_EDGE_OUT)
    d_cat = D_EDGE_IN + D_EDGE_OUT + D_EDGE_OUT
    eW1, eb1 = _linear_params(ks[7], d_cat, D_EDGE_OUT)
    eW2, eb2 = _linear_params(jax.random.fold_in(ks[7], 1), D_EDGE_OUT, D_EDGE_OUT)
    return {
        'var_f': var_f, 'con_f': con_f,
        'combined_edge_f': combined_edge_f,
        'edge_index_var_con': edge_index_var_con,
        'vW1': vW1, 'vb1': vb1, 'vW2': vW2, 'vb2': vb2,
        'cW1': cW1, 'cb1': cb1, 'cW2': cW2, 'cb2': cb2,
        'eW1': eW1, 'eb1': eb1, 'eW2': eW2, 'eb2': eb2,
    }


def reference(var_f, con_f, combined_edge_f, edge_index_var_con,
              vW1, vb1, vW2, vb2, cW1, cb1, cW2, cb2, eW1, eb1, eW2, eb2):
    # var_compress_mlp: Linear -> ReLU -> Linear -> ReLU
    v = jax.nn.relu(var_f @ vW1 + vb1)
    v = jax.nn.relu(v @ vW2 + vb2)
    # con_compress_mlp: Linear -> ReLU -> Linear -> ReLU
    c = jax.nn.relu(con_f @ cW1 + cb1)
    c = jax.nn.relu(c @ cW2 + cb2)
    # gather compressed node features onto edges
    v_e = jnp.take(v, edge_index_var_con[0], axis=0)
    c_e = jnp.take(c, edge_index_var_con[1], axis=0)
    out = jnp.concatenate([combined_edge_f, v_e, c_e], axis=1)
    # edge_mlp: Linear -> ReLU -> Linear
    out = jax.nn.relu(out @ eW1 + eb1)
    out = out @ eW2 + eb2
    return out

if __name__ == "__main__":
    import jax
    _d = setup_inputs()
    print(jax.jit(kernel)(*tuple(_d.values())))

</pallas_src>

<mosaic_0001>
#map = affine_map<(d0, d1) -> (0, 0)>
#map1 = affine_map<(d0, d1) -> (0, 0, 0)>
#map2 = affine_map<(d0, d1) -> (0, 0, 0, 0)>
module attributes {stable_mosaic.version = 14 : i64} {
  func.func @_gather_body(%arg0: i32, %arg1: i32, %arg2: memref<10000x16xf32, #tpu.memory_space<hbm>>, %arg3: memref<10000x16xf32, #tpu.memory_space<hbm>>, %arg4: memref<2x2500x128xi32, #tpu.memory_space<hbm>>, %arg5: memref<2500x2x8x128xf32, #tpu.memory_space<hbm>>, %arg6: memref<78x128xi32, #tpu.memory_space<vmem>>, %arg7: memref<78x128xi32, #tpu.memory_space<vmem>>, %arg8: memref<1x128xi32, #tpu.memory_space<vmem>>, %arg9: memref<1x128xi32, #tpu.memory_space<vmem>>, %arg10: memref<4x128x16xf32, #tpu.memory_space<vmem>>, %arg11: memref<4x128x16xf32, #tpu.memory_space<vmem>>, %arg12: memref<2x2x8x129xf32, #tpu.memory_space<vmem>>, %arg13: memref<4x!tpu.dma_semaphore, #tpu.memory_space<semaphore_mem>>, %arg14: memref<4x!tpu.dma_semaphore, #tpu.memory_space<semaphore_mem>>, %arg15: memref<2x!tpu.dma_semaphore, #tpu.memory_space<semaphore_mem>>) attributes {dimension_semantics = [#tpu.dimension_semantics<core_parallel>, #tpu.dimension_semantics<subcore_parallel>], iteration_bounds = array<i64: 2, 16>, scalar_prefetch = 0 : i64, scratch_operands = 10 : i64, tpu.core_type = #tpu.core_type<sc_vector_subcore>, window_params = [{transform_indices = #map}, {transform_indices = #map}, {transform_indices = #map1}, {transform_indices = #map2}]} {
    %mul3A = arith.constant 2 : i32
    %mul3A_0 = arith.muli %arg1, %mul3A : i32
    %add3A = arith.addi %mul3A_0, %arg0 : i32
    %mul3A_1 = arith.constant 78 : i32
    %mul3A_2 = arith.muli %add3A, %mul3A_1 : i32
    %run_scoped3A = arith.constant 0 : i32
    "tpu.region"() ({
      %run_scoped3A_200 = tpu.sem_alloc : memref<!tpu.dma_semaphore, #tpu.memory_space<semaphore_mem>>
      %dma_start3A_201 = arith.constant 0 : i32
      %dma_start3A_202 = tpu.memref_slice %arg4[%run_scoped3A, %mul3A_2, %dma_start3A_201] : memref<2x2500x128xi32, #tpu.memory_space<hbm>> -> memref<1x78x128xi32, #tpu.memory_space<hbm>>
      %dma_start3A_203 = tpu.memref_squeeze %dma_start3A_202 : memref<1x78x128xi32, #tpu.memory_space<hbm>> -> memref<78x128xi32, #tpu.memory_space<hbm>>
      %dma_start3A_204 = arith.constant 0 : i32
      %dma_start3A_205 = tpu.memref_slice %arg4[%run_scoped3A, %mul3A_2, %dma_start3A_204] : memref<2x2500x128xi32, #tpu.memory_space<hbm>> -> memref<1x78x128xi32, #tpu.memory_space<hbm>>
      %dma_start3A_206 = tpu.memref_squeeze %dma_start3A_205 : memref<1x78x128xi32, #tpu.memory_space<hbm>> -> memref<78x128xi32, #tpu.memory_space<hbm>>
      tpu.enqueue_dma source(%dma_start3A_206 : memref<78x128xi32, #tpu.memory_space<hbm>>) target(%arg6 : memref<78x128xi32, #tpu.memory_space<vmem>>) target_semaphore(%run_scoped3A_200 : memref<!tpu.dma_semaphore, #tpu.memory_space<semaphore_mem>>)
      %dma_wait3A_207 = arith.constant 0 : i32
      %dma_wait3A_208 = tpu.memref_slice %arg4[%run_scoped3A, %mul3A_2, %dma_wait3A_207] : memref<2x2500x128xi32, #tpu.memory_space<hbm>> -> memref<1x78x128xi32, #tpu.memory_space<hbm>>
      %dma_wait3A_209 = tpu.memref_squeeze %dma_wait3A_208 : memref<1x78x128xi32, #tpu.memory_space<hbm>> -> memref<78x128xi32, #tpu.memory_space<hbm>>
      %dma_wait3A_210 = arith.constant 0 : i32
      %dma_wait3A_211 = tpu.memref_slice %arg4[%run_scoped3A, %mul3A_2, %dma_wait3A_210] : memref<2x2500x128xi32, #tpu.memory_space<hbm>> -> memref<1x78x128xi32, #tpu.memory_space<hbm>>
      %dma_wait3A_212 = tpu.memref_squeeze %dma_wait3A_211 : memref<1x78x128xi32, #tpu.memory_space<hbm>> -> memref<78x128xi32, #tpu.memory_space<hbm>>
      tpu.wait_dma2 semaphore(%run_scoped3A_200 : memref<!tpu.dma_semaphore, #tpu.memory_space<semaphore_mem>>) src(%dma_wait3A_212 : memref<78x128xi32, #tpu.memory_space<hbm>>) dst(%arg6 : memref<78x128xi32, #tpu.memory_space<vmem>>)
      tpu.yield
    }) : () -> ()
    %run_scoped3A_3 = arith.constant 1 : i32
    "tpu.region"() ({
      %run_scoped3A_200 = tpu.sem_alloc : memref<!tpu.dma_semaphore, #tpu.memory_space<semaphore_mem>>
      %dma_start3A_201 = arith.constant 0 : i32
      %dma_start3A_202 = tpu.memref_slice %arg4[%run_scoped3A_3, %mul3A_2, %dma_start3A_201] : memref<2x2500x128xi32, #tpu.memory_space<hbm>> -> memref<1x78x128xi32, #tpu.memory_space<hbm>>
      %dma_start3A_203 = tpu.memref_squeeze %dma_start3A_202 : memref<1x78x128xi32, #tpu.memory_space<hbm>> -> memref<78x128xi32, #tpu.memory_space<hbm>>
      %dma_start3A_204 = arith.constant 0 : i32
      %dma_start3A_205 = tpu.memref_slice %arg4[%run_scoped3A_3, %mul3A_2, %dma_start3A_204] : memref<2x2500x128xi32, #tpu.memory_space<hbm>> -> memref<1x78x128xi32, #tpu.memory_space<hbm>>
      %dma_start3A_206 = tpu.memref_squeeze %dma_start3A_205 : memref<1x78x128xi32, #tpu.memory_space<hbm>> -> memref<78x128xi32, #tpu.memory_space<hbm>>
      tpu.enqueue_dma source(%dma_start3A_206 : memref<78x128xi32, #tpu.memory_space<hbm>>) target(%arg7 : memref<78x128xi32, #tpu.memory_space<vmem>>) target_semaphore(%run_scoped3A_200 : memref<!tpu.dma_semaphore, #tpu.memory_space<semaphore_mem>>)
      %dma_wait3A_207 = arith.constant 0 : i32
      %dma_wait3A_208 = tpu.memref_slice %arg4[%run_scoped3A_3, %mul3A_2, %dma_wait3A_207] : memref<2x2500x128xi32, #tpu.memory_space<hbm>> -> memref<1x78x128xi32, #tpu.memory_space<hbm>>
      %dma_wait3A_209 = tpu.memref_squeeze %dma_wait3A_208 : memref<1x78x128xi32, #tpu.memory_space<hbm>> -> memref<78x128xi32, #tpu.memory_space<hbm>>
      %dma_wait3A_210 = arith.constant 0 : i32
      %dma_wait3A_211 = tpu.memref_slice %arg4[%run_scoped3A_3, %mul3A_2, %dma_wait3A_210] : memref<2x2500x128xi32, #tpu.memory_space<hbm>> -> memref<1x78x128xi32, #tpu.memory_space<hbm>>
      %dma_wait3A_212 = tpu.memref_squeeze %dma_wait3A_211 : memref<1x78x128xi32, #tpu.memory_space<hbm>> -> memref<78x128xi32, #tpu.memory_space<hbm>>
      tpu.wait_dma2 semaphore(%run_scoped3A_200 : memref<!tpu.dma_semaphore, #tpu.memory_space<semaphore_mem>>) src(%dma_wait3A_212 : memref<78x128xi32, #tpu.memory_space<hbm>>) dst(%arg7 : memref<78x128xi32, #tpu.memory_space<vmem>>)
      tpu.yield
    }) : () -> ()
    %iota3A = tpu.iota {dimensions = array<i32: 0>} : vector<16xi32>
    %jit3A = arith.constant 8 : i32
    %div3A = vector.broadcast %jit3A : i32 to vector<16xi32>
    %div3A_4 = arith.divsi %iota3A, %div3A : vector<16xi32>
    %sign3A = arith.constant 0 : i32
    %sign3A_5 = vector.broadcast %sign3A : i32 to vector<16xi32>
    %sign3A_6 = arith.cmpi sgt, %iota3A, %sign3A_5 : vector<16xi32>
    %sign3A_7 = arith.extui %sign3A_6 : vector<16xi1> to vector<16xi32>
    %sign3A_8 = arith.constant 0 : i32
    %sign3A_9 = vector.broadcast %sign3A_8 : i32 to vector<16xi32>
    %sign3A_10 = arith.cmpi slt, %iota3A, %sign3A_9 : vector<16xi32>
    %sign3A_11 = arith.extui %sign3A_10 : vector<16xi1> to vector<16xi32>
    %sign3A_12 = arith.subi %sign3A_7, %sign3A_11 : vector<16xi32>
    %sign3A_13 = arith.constant 0 : i32
    %sign3A_14 = arith.cmpi sgt, %jit3A, %sign3A_13 : i32
    %sign3A_15 = arith.extui %sign3A_14 : i1 to i32
    %sign3A_16 = arith.constant 0 : i32
    %sign3A_17 = arith.cmpi slt, %jit3A, %sign3A_16 : i32
    %sign3A_18 = arith.extui %sign3A_17 : i1 to i32
    %sign3A_19 = arith.subi %sign3A_15, %sign3A_18 : i32
    %ne3A = vector.broadcast %sign3A_19 : i32 to vector<16xi32>
    %ne3A_20 = arith.cmpi ne, %sign3A_12, %ne3A : vector<16xi32>
    %rem3A = vector.broadcast %jit3A : i32 to vector<16xi32>
    %rem3A_21 = arith.remsi %iota3A, %rem3A : vector<16xi32>
    %ne3A_22 = arith.constant 0 : i32
    %ne3A_23 = vector.broadcast %ne3A_22 : i32 to vector<16xi32>
    %ne3A_24 = arith.cmpi ne, %rem3A_21, %ne3A_23 : vector<16xi32>
    %and3A = arith.andi %ne3A_20, %ne3A_24 : vector<16xi1>
    %sub3A = arith.constant 1 : i32
    %sub3A_25 = vector.broadcast %sub3A : i32 to vector<16xi32>
    %sub3A_26 = arith.subi %div3A_4, %sub3A_25 : vector<16xi32>
    %select_n3A = arith.select %and3A, %sub3A_26, %div3A_4 : vector<16xi1>, vector<16xi32>
    %jit3A_27 = arith.constant 8 : i32
    %eq3A = arith.constant 0 : i32
    %eq3A_28 = arith.cmpi eq, %jit3A_27, %eq3A : i32
    %jit3A_29 = arith.constant 1 : i32
    %select_n3A_30 = arith.select %eq3A_28, %jit3A_29, %jit3A_27 : i32
    %rem3A_31 = vector.broadcast %select_n3A_30 : i32 to vector<16xi32>
    %rem3A_32 = arith.remsi %iota3A, %rem3A_31 : vector<16xi32>
    %ne3A_33 = arith.constant 0 : i32
    %ne3A_34 = vector.broadcast %ne3A_33 : i32 to vector<16xi32>
    %ne3A_35 = arith.cmpi ne, %rem3A_32, %ne3A_34 : vector<16xi32>
    %lt3A = arith.constant 0 : i32
    %lt3A_36 = vector.broadcast %lt3A : i32 to vector<16xi32>
    %lt3A_37 = arith.cmpi slt, %rem3A_32, %lt3A_36 : vector<16xi32>
    %lt3A_38 = arith.constant 0 : i32
    %lt3A_39 = arith.cmpi slt, %select_n3A_30, %lt3A_38 : i32
    %ne3A_40 = vector.broadcast %lt3A_39 : i1 to vector<16xi1>
    %ne3A_41 = vector.broadcast %ne3A_40 : vector<16xi1> to vector<16xi1>
    %ne3A_42 = arith.xori %lt3A_37, %ne3A_41 : vector<16xi1>
    %and3A_43 = arith.andi %ne3A_42, %ne3A_35 : vector<16xi1>
    %add3A_44 = vector.broadcast %select_n3A_30 : i32 to vector<16xi32>
    %add3A_45 = arith.addi %rem3A_32, %add3A_44 : vector<16xi32>
    %select_n3A_46 = arith.select %and3A_43, %add3A_45, %rem3A_32 : vector<16xi1>, vector<16xi32>
    %dma_start3A = arith.constant 0 : i32
    %dma_start3A_47 = arith.constant 0 : i32
    %dma_start3A_48 = arith.constant 0 : i32
    %dma_start3A_49 = arith.constant 0 : i32
    %dma_start3A_50 = arith.constant 0 : i32
    %dma_start3A_51 = tpu.memref_slice %arg10[%dma_start3A_47, %dma_start3A_49, %dma_start3A_50] : memref<4x128x16xf32, #tpu.memory_space<vmem>> -> memref<1x128x16xf32, #tpu.memory_space<vmem>>
    %dma_start3A_52 = tpu.memref_squeeze %dma_start3A_51 : memref<1x128x16xf32, #tpu.memory_space<vmem>> -> memref<128x16xf32, #tpu.memory_space<vmem>>
    %dma_start3A_53 = arith.constant 0 : i32
    %dma_start3A_54 = tpu.memref_slice %arg6[%dma_start3A, %dma_start3A_53] : memref<78x128xi32, #tpu.memory_space<vmem>> -> memref<1x128xi32, #tpu.memory_space<vmem>>
    %dma_start3A_55 = tpu.memref_squeeze %dma_start3A_54 : memref<1x128xi32, #tpu.memory_space<vmem>> -> memref<128xi32, #tpu.memory_space<vmem>>
    %dma_start3A_56 = arith.constant 0 : i32
    %dma_start3A_57 = arith.constant 0 : i32
    %dma_start3A_58 = tpu.memref_slice %arg2[%dma_start3A_56, %dma_start3A_57] : memref<10000x16xf32, #tpu.memory_space<hbm>> -> memref<10000x16xf32, #tpu.memory_space<hbm>>
    %dma_start3A_59 = tpu.memref_slice %arg13[%dma_start3A_48] : memref<4x!tpu.dma_semaphore, #tpu.memory_space<semaphore_mem>> -> memref<1x!tpu.dma_semaphore, #tpu.memory_space<semaphore_mem>>
    %dma_start3A_60 = tpu.memref_squeeze %dma_start3A_59 : memref<1x!tpu.dma_semaphore, #tpu.memory_space<semaphore_mem>> -> memref<!tpu.dma_semaphore, #tpu.memory_space<semaphore_mem>>
    tpu.enqueue_indirect_dma source(%dma_start3A_58 : memref<10000x16xf32, #tpu.memory_space<hbm>>) target(%dma_start3A_52 : memref<128x16xf32, #tpu.memory_space<vmem>>) offsets(%dma_start3A_55 : memref<128xi32, #tpu.memory_space<vmem>>) semaphore(%dma_start3A_60 : memref<!tpu.dma_semaphore, #tpu.memory_space<semaphore_mem>>)
    %dma_start3A_61 = arith.constant 0 : i32
    %dma_start3A_62 = arith.constant 0 : i32
    %dma_start3A_63 = arith.constant 0 : i32
    %dma_start3A_64 = arith.constant 0 : i32
    %dma_start3A_65 = arith.constant 0 : i32
    %dma_start3A_66 = tpu.memref_slice %arg11[%dma_start3A_62, %dma_start3A_64, %dma_start3A_65] : memref<4x128x16xf32, #tpu.memory_space<vmem>> -> memref<1x128x16xf32, #tpu.memory_space<vmem>>
    %dma_start3A_67 = tpu.memref_squeeze %dma_start3A_66 : memref<1x128x16xf32, #tpu.memory_space<vmem>> -> memref<128x16xf32, #tpu.memory_space<vmem>>
    %dma_start3A_68 = arith.constant 0 : i32
    %dma_start3A_69 = tpu.memref_slice %arg7[%dma_start3A_61, %dma_start3A_68] : memref<78x128xi32, #tpu.memory_space<vmem>> -> memref<1x128xi32, #tpu.memory_space<vmem>>
    %dma_start3A_70 = tpu.memref_squeeze %dma_start3A_69 : memref<1x128xi32, #tpu.memory_space<vmem>> -> memref<128xi32, #tpu.memory_space<vmem>>
    %dma_start3A_71 = arith.constant 0 : i32
    %dma_start3A_72 = arith.constant 0 : i32
    %dma_start3A_73 = tpu.memref_slice %arg3[%dma_start3A_71, %dma_start3A_72] : memref<10000x16xf32, #tpu.memory_space<hbm>> -> memref<10000x16xf32, #tpu.memory_space<hbm>>
    %dma_start3A_74 = tpu.memref_slice %arg14[%dma_start3A_63] : memref<4x!tpu.dma_semaphore, #tpu.memory_space<semaphore_mem>> -> memref<1x!tpu.dma_semaphore, #tpu.memory_space<semaphore_mem>>
    %dma_start3A_75 = tpu.memref_squeeze %dma_start3A_74 : memref<1x!tpu.dma_semaphore, #tpu.memory_space<semaphore_mem>> -> memref<!tpu.dma_semaphore, #tpu.memory_space<semaphore_mem>>
    tpu.enqueue_indirect_dma source(%dma_start3A_73 : memref<10000x16xf32, #tpu.memory_space<hbm>>) target(%dma_start3A_67 : memref<128x16xf32, #tpu.memory_space<vmem>>) offsets(%dma_start3A_70 : memref<128xi32, #tpu.memory_space<vmem>>) semaphore(%dma_start3A_75 : memref<!tpu.dma_semaphore, #tpu.memory_space<semaphore_mem>>)
    %dma_start3A_76 = arith.constant 1 : i32
    %dma_start3A_77 = arith.constant 1 : i32
    %dma_start3A_78 = arith.constant 1 : i32
    %dma_start3A_79 = arith.constant 0 : i32
    %dma_start3A_80 = arith.constant 0 : i32
    %dma_start3A_81 = tpu.memref_slice %arg10[%dma_start3A_77, %dma_start3A_79, %dma_start3A_80] : memref<4x128x16xf32, #tpu.memory_space<vmem>> -> memref<1x128x16xf32, #tpu.memory_space<vmem>>
    %dma_start3A_82 = tpu.memref_squeeze %dma_start3A_81 : memref<1x128x16xf32, #tpu.memory_space<vmem>> -> memref<128x16xf32, #tpu.memory_space<vmem>>
    %dma_start3A_83 = arith.constant 0 : i32
    %dma_start3A_84 = tpu.memref_slice %arg6[%dma_start3A_76, %dma_start3A_83] : memref<78x128xi32, #tpu.memory_space<vmem>> -> memref<1x128xi32, #tpu.memory_space<vmem>>
    %dma_start3A_85 = tpu.memref_squeeze %dma_start3A_84 : memref<1x128xi32, #tpu.memory_space<vmem>> -> memref<128xi32, #tpu.memory_space<vmem>>
    %dma_start3A_86 = arith.constant 0 : i32
    %dma_start3A_87 = arith.constant 0 : i32
    %dma_start3A_88 = tpu.memref_slice %arg2[%dma_start3A_86, %dma_start3A_87] : memref<10000x16xf32, #tpu.memory_space<hbm>> -> memref<10000x16xf32, #tpu.memory_space<hbm>>
    %dma_start3A_89 = tpu.memref_slice %arg13[%dma_start3A_78] : memref<4x!tpu.dma_semaphore, #tpu.memory_space<semaphore_mem>> -> memref<1x!tpu.dma_semaphore, #tpu.memory_space<semaphore_mem>>
    %dma_start3A_90 = tpu.memref_squeeze %dma_start3A_89 : memref<1x!tpu.dma_semaphore, #tpu.memory_space<semaphore_mem>> -> memref<!tpu.dma_semaphore, #tpu.memory_space<semaphore_mem>>
    tpu.enqueue_indirect_dma source(%dma_start3A_88 : memref<10000x16xf32, #tpu.memory_space<hbm>>) target(%dma_start3A_82 : memref<128x16xf32, #tpu.memory_space<vmem>>) offsets(%dma_start3A_85 : memref<128xi32, #tpu.memory_space<vmem>>) semaphore(%dma_start3A_90 : memref<!tpu.dma_semaphore, #tpu.memory_space<semaphore_mem>>)
    %dma_start3A_91 = arith.constant 1 : i32
    %dma_start3A_92 = arith.constant 1 : i32
    %dma_start3A_93 = arith.constant 1 : i32
    %dma_start3A_94 = arith.constant 0 : i32
    %dma_start3A_95 = arith.constant 0 : i32
    %dma_start3A_96 = tpu.memref_slice %arg11[%dma_start3A_92, %dma_start3A_94, %dma_start3A_95] : memref<4x128x16xf32, #tpu.memory_space<vmem>> -> memref<1x128x16xf32, #tpu.memory_space<vmem>>
    %dma_start3A_97 = tpu.memref_squeeze %dma_start3A_96 : memref<1x128x16xf32, #tpu.memory_space<vmem>> -> memref<128x16xf32, #tpu.memory_space<vmem>>
    %dma_start3A_98 = arith.constant 0 : i32
    %dma_start3A_99 = tpu.memref_slice %arg7[%dma_start3A_91, %dma_start3A_98] : memref<78x128xi32, #tpu.memory_space<vmem>> -> memref<1x128xi32, #tpu.memory_space<vmem>>
    %dma_start3A_100 = tpu.memref_squeeze %dma_start3A_99 : memref<1x128xi32, #tpu.memory_space<vmem>> -> memref<128xi32, #tpu.memory_space<vmem>>
    %dma_start3A_101 = arith.constant 0 : i32
    %dma_start3A_102 = arith.constant 0 : i32
    %dma_start3A_103 = tpu.memref_slice %arg3[%dma_start3A_101, %dma_start3A_102] : memref<10000x16xf32, #tpu.memory_space<hbm>> -> memref<10000x16xf32, #tpu.memory_space<hbm>>
    %dma_start3A_104 = tpu.memref_slice %arg14[%dma_start3A_93] : memref<4x!tpu.dma_semaphore, #tpu.memory_space<semaphore_mem>> -> memref<1x!tpu.dma_semaphore, #tpu.memory_space<semaphore_mem>>
    %dma_start3A_105 = tpu.memref_squeeze %dma_start3A_104 : memref<1x!tpu.dma_semaphore, #tpu.memory_space<semaphore_mem>> -> memref<!tpu.dma_semaphore, #tpu.memory_space<semaphore_mem>>
    tpu.enqueue_indirect_dma source(%dma_start3A_103 : memref<10000x16xf32, #tpu.memory_space<hbm>>) target(%dma_start3A_97 : memref<128x16xf32, #tpu.memory_space<vmem>>) offsets(%dma_start3A_100 : memref<128xi32, #tpu.memory_space<vmem>>) semaphore(%dma_start3A_105 : memref<!tpu.dma_semaphore, #tpu.memory_space<semaphore_mem>>)
    %dma_start3A_106 = arith.constant 2 : i32
    %dma_start3A_107 = arith.constant 2 : i32
    %dma_start3A_108 = arith.constant 2 : i32
    %dma_start3A_109 = arith.constant 0 : i32
    %dma_start3A_110 = arith.constant 0 : i32
    %dma_start3A_111 = tpu.memref_slice %arg10[%dma_start3A_107, %dma_start3A_109, %dma_start3A_110] : memref<4x128x16xf32, #tpu.memory_space<vmem>> -> memref<1x128x16xf32, #tpu.memory_space<vmem>>
    %dma_start3A_112 = tpu.memref_squeeze %dma_start3A_111 : memref<1x128x16xf32, #tpu.memory_space<vmem>> -> memref<128x16xf32, #tpu.memory_space<vmem>>
    %dma_start3A_113 = arith.constant 0 : i32
    %dma_start3A_114 = tpu.memref_slice %arg6[%dma_start3A_106, %dma_start3A_113] : memref<78x128xi32, #tpu.memory_space<vmem>> -> memref<1x128xi32, #tpu.memory_space<vmem>>
    %dma_start3A_115 = tpu.memref_squeeze %dma_start3A_114 : memref<1x128xi32, #tpu.memory_space<vmem>> -> memref<128xi32, #tpu.memory_space<vmem>>
    %dma_start3A_116 = arith.constant 0 : i32
    %dma_start3A_117 = arith.constant 0 : i32
    %dma_start3A_118 = tpu.memref_slice %arg2[%dma_start3A_116, %dma_start3A_117] : memref<10000x16xf32, #tpu.memory_space<hbm>> -> memref<10000x16xf32, #tpu.memory_space<hbm>>
    %dma_start3A_119 = tpu.memref_slice %arg13[%dma_start3A_108] : memref<4x!tpu.dma_semaphore, #tpu.memory_space<semaphore_mem>> -> memref<1x!tpu.dma_semaphore, #tpu.memory_space<semaphore_mem>>
    %dma_start3A_120 = tpu.memref_squeeze %dma_start3A_119 : memref<1x!tpu.dma_semaphore, #tpu.memory_space<semaphore_mem>> -> memref<!tpu.dma_semaphore, #tpu.memory_space<semaphore_mem>>
    tpu.enqueue_indirect_dma source(%dma_start3A_118 : memref<10000x16xf32, #tpu.memory_space<hbm>>) target(%dma_start3A_112 : memref<128x16xf32, #tpu.memory_space<vmem>>) offsets(%dma_start3A_115 : memref<128xi32, #tpu.memory_space<vmem>>) semaphore(%dma_start3A_120 : memref<!tpu.dma_semaphore, #tpu.memory_space<semaphore_mem>>)
    %dma_start3A_121 = arith.constant 2 : i32
    %dma_start3A_122 = arith.constant 2 : i32
    %dma_start3A_123 = arith.constant 2 : i32
    %dma_start3A_124 = arith.constant 0 : i32
    %dma_start3A_125 = arith.constant 0 : i32
    %dma_start3A_126 = tpu.memref_slice %arg11[%dma_start3A_122, %dma_start3A_124, %dma_start3A_125] : memref<4x128x16xf32, #tpu.memory_space<vmem>> -> memref<1x128x16xf32, #tpu.memory_space<vmem>>
    %dma_start3A_127 = tpu.memref_squeeze %dma_start3A_126 : memref<1x128x16xf32, #tpu.memory_space<vmem>> -> memref<128x16xf32, #tpu.memory_space<vmem>>
    %dma_start3A_128 = arith.constant 0 : i32
    %dma_start3A_129 = tpu.memref_slice %arg7[%dma_start3A_121, %dma_start3A_128] : memref<78x128xi32, #tpu.memory_space<vmem>> -> memref<1x128xi32, #tpu.memory_space<vmem>>
    %dma_start3A_130 = tpu.memref_squeeze %dma_start3A_129 : memref<1x128xi32, #tpu.memory_space<vmem>> -> memref<128xi32, #tpu.memory_space<vmem>>
    %dma_start3A_131 = arith.constant 0 : i32
    %dma_start3A_132 = arith.constant 0 : i32
    %dma_start3A_133 = tpu.memref_slice %arg3[%dma_start3A_131, %dma_start3A_132] : memref<10000x16xf32, #tpu.memory_space<hbm>> -> memref<10000x16xf32, #tpu.memory_space<hbm>>
    %dma_start3A_134 = tpu.memref_slice %arg14[%dma_start3A_123] : memref<4x!tpu.dma_semaphore, #tpu.memory_space<semaphore_mem>> -> memref<1x!tpu.dma_semaphore, #tpu.memory_space<semaphore_mem>>
    %dma_start3A_135 = tpu.memref_squeeze %dma_start3A_134 : memref<1x!tpu.dma_semaphore, #tpu.memory_space<semaphore_mem>> -> memref<!tpu.dma_semaphore, #tpu.memory_space<semaphore_mem>>
    tpu.enqueue_indirect_dma source(%dma_start3A_133 : memref<10000x16xf32, #tpu.memory_space<hbm>>) target(%dma_start3A_127 : memref<128x16xf32, #tpu.memory_space<vmem>>) offsets(%dma_start3A_130 : memref<128xi32, #tpu.memory_space<vmem>>) semaphore(%dma_start3A_135 : memref<!tpu.dma_semaphore, #tpu.memory_space<semaphore_mem>>)
    %scan3A = arith.constant 0 : i32
    %scan3A_136 = arith.constant 0 : i32
    %scan3A_137 = arith.constant 78 : i32
    %scan3A_138 = arith.addi %scan3A_136, %scan3A_137 : i32
    %scan3A_139 = arith.constant 1 : i32
    %scan3A_140 = scf.for %scan3A_200 = %scan3A_136 to %scan3A_138 step %scan3A_139 iter_args(%scan3A_201 = %scan3A) -> (i32)  : i32 {
      %rem3A_202 = arith.constant 4 : i32
      %rem3A_203 = arith.remsi %scan3A_200, %rem3A_202 : i32
      %rem3A_204 = arith.constant 2 : i32
      %rem3A_205 = arith.remsi %scan3A_200, %rem3A_204 : i32
      %add3A_206 = arith.constant 3 : i32
      %add3A_207 = arith.addi %scan3A_200, %add3A_206 : i32
      %lt3A_208 = arith.constant 78 : i32
      %lt3A_209 = arith.cmpi slt, %add3A_207, %lt3A_208 : i32
      %convert_element_type3A_210 = arith.extui %lt3A_209 : i1 to i32
      %cond3A_211 = arith.constant 0 : i32
      %cond3A_212 = arith.cmpi ne, %convert_element_type3A_210, %cond3A_211 : i32
      scf.if %cond3A_212 {
        %add3A_272 = arith.constant 3 : i32
        %add3A_273 = arith.addi %scan3A_200, %add3A_272 : i32
        %add3A_274 = arith.constant 3 : i32
        %add3A_275 = arith.addi %scan3A_200, %add3A_274 : i32
        %add3A_276 = arith.constant 3 : i32
        %add3A_277 = arith.addi %scan3A_200, %add3A_276 : i32
        %rem3A_278 = arith.constant 4 : i32
        %rem3A_279 = arith.remsi %add3A_277, %rem3A_278 : i32
        %dma_start3A_280 = arith.constant 0 : i32
        %dma_start3A_281 = arith.constant 0 : i32
        %dma_start3A_282 = tpu.memref_slice %arg10[%rem3A_279, %dma_start3A_280, %dma_start3A_281] : memref<4x128x16xf32, #tpu.memory_space<vmem>> -> memref<1x128x16xf32, #tpu.memory_space<vmem>>
        %dma_start3A_283 = tpu.memref_squeeze %dma_start3A_282 : memref<1x128x16xf32, #tpu.memory_space<vmem>> -> memref<128x16xf32, #tpu.memory_space<vmem>>
        %dma_start3A_284 = arith.constant 0 : i32
        %dma_start3A_285 = tpu.memref_slice %arg6[%add3A_273, %dma_start3A_284] : memref<78x128xi32, #tpu.memory_space<vmem>> -> memref<1x128xi32, #tpu.memory_space<vmem>>
        %dma_start3A_286 = tpu.memref_squeeze %dma_start3A_285 : memref<1x128xi32, #tpu.memory_space<vmem>> -> memref<128xi32, #tpu.memory_space<vmem>>
        %dma_start3A_287 = arith.constant 0 : i32
        %dma_start3A_288 = arith.constant 0 : i32
        %dma_start3A_289 = tpu.memref_slice %arg2[%dma_start3A_287, %dma_start3A_288] : memref<10000x16xf32, #tpu.memory_space<hbm>> -> memref<10000x16xf32, #tpu.memory_space<hbm>>
        %dma_start3A_290 = tpu.memref_slice %arg13[%rem3A_279] : memref<4x!tpu.dma_semaphore, #tpu.memory_space<semaphore_mem>> -> memref<1x!tpu.dma_semaphore, #tpu.memory_space<semaphore_mem>>
        %dma_start3A_291 = tpu.memref_squeeze %dma_start3A_290 : memref<1x!tpu.dma_semaphore, #tpu.memory_space<semaphore_mem>> -> memref<!tpu.dma_semaphore, #tpu.memory_space<semaphore_mem>>
        tpu.enqueue_indirect_dma source(%dma_start3A_289 : memref<10000x16xf32, #tpu.memory_space<hbm>>) target(%dma_start3A_283 : memref<128x16xf32, #tpu.memory_space<vmem>>) offsets(%dma_start3A_286 : memref<128xi32, #tpu.memory_space<vmem>>) semaphore(%dma_start3A_291 : memref<!tpu.dma_semaphore, #tpu.memory_space<semaphore_mem>>)
        %dma_start3A_292 = arith.constant 0 : i32
        %dma_start3A_293 = arith.constant 0 : i32
        %dma_start3A_294 = tpu.memref_slice %arg11[%rem3A_279, %dma_start3A_292, %dma_start3A_293] : memref<4x128x16xf32, #tpu.memory_space<vmem>> -> memref<1x128x16xf32, #tpu.memory_space<vmem>>
        %dma_start3A_295 = tpu.memref_squeeze %dma_start3A_294 : memref<1x128x16xf32, #tpu.memory_space<vmem>> -> memref<128x16xf32, #tpu.memory_space<vmem>>
        %dma_start3A_296 = arith.constant 0 : i32
        %dma_start3A_297 = tpu.memref_slice %arg7[%add3A_275, %dma_start3A_296] : memref<78x128xi32, #tpu.memory_space<vmem>> -> memref<1x128xi32, #tpu.memory_space<vmem>>
        %dma_start3A_298 = tpu.memref_squeeze %dma_start3A_297 : memref<1x128xi32, #tpu.memory_space<vmem>> -> memref<128xi32, #tpu.memory_space<vmem>>
        %dma_start3A_299 = arith.constant 0 : i32
        %dma_start3A_300 = arith.constant 0 : i32
        %dma_start3A_301 = tpu.memref_slice %arg3[%dma_start3A_299, %dma_start3A_300] : memref<10000x16xf32, #tpu.memory_space<hbm>> -> memref<10000x16xf32, #tpu.memory_space<hbm>>
        %dma_start3A_302 = tpu.memref_slice %arg14[%rem3A_279] : memref<4x!tpu.dma_semaphore, #tpu.memory_space<semaphore_mem>> -> memref<1x!tpu.dma_semaphore, #tpu.memory_space<semaphore_mem>>
        %dma_start3A_303 = tpu.memref_squeeze %dma_start3A_302 : memref<1x!tpu.dma_semaphore, #tpu.memory_space<semaphore_mem>> -> memref<!tpu.dma_semaphore, #tpu.memory_space<semaphore_mem>>
        tpu.enqueue_indirect_dma source(%dma_start3A_301 : memref<10000x16xf32, #tpu.memory_space<hbm>>) target(%dma_start3A_295 : memref<128x16xf32, #tpu.memory_space<vmem>>) offsets(%dma_start3A_298 : memref<128xi32, #tpu.memory_space<vmem>>) semaphore(%dma_start3A_303 : memref<!tpu.dma_semaphore, #tpu.memory_space<semaphore_mem>>)
      } else {
      }
      %dma_wait3A_213 = arith.constant 0 : i32
      %dma_wait3A_214 = arith.constant 0 : i32
      %dma_wait3A_215 = tpu.memref_slice %arg10[%rem3A_203, %dma_wait3A_213, %dma_wait3A_214] : memref<4x128x16xf32, #tpu.memory_space<vmem>> -> memref<1x128x16xf32, #tpu.memory_space<vmem>>
      %dma_wait3A_216 = tpu.memref_squeeze %dma_wait3A_215 : memref<1x128x16xf32, #tpu.memory_space<vmem>> -> memref<128x16xf32, #tpu.memory_space<vmem>>
      %dma_wait3A_217 = arith.constant 0 : i32
      %dma_wait3A_218 = tpu.memref_slice %arg6[%scan3A_200, %dma_wait3A_217] : memref<78x128xi32, #tpu.memory_space<vmem>> -> memref<1x128xi32, #tpu.memory_space<vmem>>
      %dma_wait3A_219 = tpu.memref_squeeze %dma_wait3A_218 : memref<1x128xi32, #tpu.memory_space<vmem>> -> memref<128xi32, #tpu.memory_space<vmem>>
      %dma_wait3A_220 = arith.constant 0 : i32
      %dma_wait3A_221 = arith.constant 0 : i32
      %dma_wait3A_222 = tpu.memref_slice %arg2[%dma_wait3A_220, %dma_wait3A_221] : memref<10000x16xf32, #tpu.memory_space<hbm>> -> memref<10000x16xf32, #tpu.memory_space<hbm>>
      %dma_wait3A_223 = tpu.memref_slice %arg13[%rem3A_203] : memref<4x!tpu.dma_semaphore, #tpu.memory_space<semaphore_mem>> -> memref<1x!tpu.dma_semaphore, #tpu.memory_space<semaphore_mem>>
      %dma_wait3A_224 = tpu.memref_squeeze %dma_wait3A_223 : memref<1x!tpu.dma_semaphore, #tpu.memory_space<semaphore_mem>> -> memref<!tpu.dma_semaphore, #tpu.memory_space<semaphore_mem>>
      tpu.wait_indirect_dma semaphore(%dma_wait3A_224 : memref<!tpu.dma_semaphore, #tpu.memory_space<semaphore_mem>>) src(%dma_wait3A_222 : memref<10000x16xf32, #tpu.memory_space<hbm>>) dst(%dma_wait3A_216 : memref<128x16xf32, #tpu.memory_space<vmem>>)
      %dma_wait3A_225 = arith.constant 0 : i32
      %dma_wait3A_226 = arith.constant 0 : i32
      %dma_wait3A_227 = tpu.memref_slice %arg11[%rem3A_203, %dma_wait3A_225, %dma_wait3A_226] : memref<4x128x16xf32, #tpu.memory_space<vmem>> -> memref<1x128x16xf32, #tpu.memory_space<vmem>>
      %dma_wait3A_228 = tpu.memref_squeeze %dma_wait3A_227 : memref<1x128x16xf32, #tpu.memory_space<vmem>> -> memref<128x16xf32, #tpu.memory_space<vmem>>
      %dma_wait3A_229 = arith.constant 0 : i32
      %dma_wait3A_230 = tpu.memref_slice %arg7[%scan3A_200, %dma_wait3A_229] : memref<78x128xi32, #tpu.memory_space<vmem>> -> memref<1x128xi32, #tpu.memory_space<vmem>>
      %dma_wait3A_231 = tpu.memref_squeeze %dma_wait3A_230 : memref<1x128xi32, #tpu.memory_space<vmem>> -> memref<128xi32, #tpu.memory_space<vmem>>
      %dma_wait3A_232 = arith.constant 0 : i32
      %dma_wait3A_233 = arith.constant 0 : i32
      %dma_wait3A_234 = tpu.memref_slice %arg3[%dma_wait3A_232, %dma_wait3A_233] : memref<10000x16xf32, #tpu.memory_space<hbm>> -> memref<10000x16xf32, #tpu.memory_space<hbm>>
      %dma_wait3A_235 = tpu.memref_slice %arg14[%rem3A_203] : memref<4x!tpu.dma_semaphore, #tpu.memory_space<semaphore_mem>> -> memref<1x!tpu.dma_semaphore, #tpu.memory_space<semaphore_mem>>
      %dma_wait3A_236 = tpu.memref_squeeze %dma_wait3A_235 : memref<1x!tpu.dma_semaphore, #tpu.memory_space<semaphore_mem>> -> memref<!tpu.dma_semaphore, #tpu.memory_space<semaphore_mem>>
      tpu.wait_indirect_dma semaphore(%dma_wait3A_236 : memref<!tpu.dma_semaphore, #tpu.memory_space<semaphore_mem>>) src(%dma_wait3A_234 : memref<10000x16xf32, #tpu.memory_space<hbm>>) dst(%dma_wait3A_228 : memref<128x16xf32, #tpu.memory_space<vmem>>)
      %ge3A = arith.constant 2 : i32
      %ge3A_237 = arith.cmpi sge, %scan3A_200, %ge3A : i32
      %convert_element_type3A_238 = arith.extui %ge3A_237 : i1 to i32
      %cond3A_239 = arith.constant 0 : i32
      %cond3A_240 = arith.cmpi ne, %convert_element_type3A_238, %cond3A_239 : i32
      scf.if %cond3A_240 {
        %add3A_272 = arith.addi %mul3A_2, %scan3A_200 : i32
        %sub3A_273 = arith.constant 2 : i32
        %sub3A_274 = arith.subi %add3A_272, %sub3A_273 : i32
        %dma_wait3A_275 = arith.constant 0 : i32
        %dma_wait3A_276 = arith.constant 0 : i32
        %dma_wait3A_277 = arith.constant 0 : i32
        %dma_wait3A_278 = tpu.memref_slice %arg12[%rem3A_205, %dma_wait3A_275, %dma_wait3A_276, %dma_wait3A_277] : memref<2x2x8x129xf32, #tpu.memory_space<vmem>> -> memref<1x2x8x128xf32, #tpu.memory_space<vmem>>
        %dma_wait3A_279 = tpu.memref_squeeze %dma_wait3A_278 : memref<1x2x8x128xf32, #tpu.memory_space<vmem>> -> memref<2x8x128xf32, #tpu.memory_space<vmem>>
        %dma_wait3A_280 = arith.constant 0 : i32
        %dma_wait3A_281 = arith.constant 0 : i32
        %dma_wait3A_282 = arith.constant 0 : i32
        %dma_wait3A_283 = tpu.memref_slice %arg5[%sub3A_274, %dma_wait3A_280, %dma_wait3A_281, %dma_wait3A_282] : memref<2500x2x8x128xf32, #tpu.memory_space<hbm>> -> memref<1x2x8x128xf32, #tpu.memory_space<hbm>>
        %dma_wait3A_284 = tpu.memref_squeeze %dma_wait3A_283 : memref<1x2x8x128xf32, #tpu.memory_space<hbm>> -> memref<2x8x128xf32, #tpu.memory_space<hbm>>
        %dma_wait3A_285 = tpu.memref_slice %arg15[%rem3A_205] : memref<2x!tpu.dma_semaphore, #tpu.memory_space<semaphore_mem>> -> memref<1x!tpu.dma_semaphore, #tpu.memory_space<semaphore_mem>>
        %dma_wait3A_286 = tpu.memref_squeeze %dma_wait3A_285 : memref<1x!tpu.dma_semaphore, #tpu.memory_space<semaphore_mem>> -> memref<!tpu.dma_semaphore, #tpu.memory_space<semaphore_mem>>
        %dma_wait3A_287 = arith.constant 0 : i32
        %dma_wait3A_288 = arith.constant 0 : i32
        %dma_wait3A_289 = arith.constant 0 : i32
        %dma_wait3A_290 = tpu.memref_slice %arg5[%sub3A_274, %dma_wait3A_287, %dma_wait3A_288, %dma_wait3A_289] : memref<2500x2x8x128xf32, #tpu.memory_space<hbm>> -> memref<1x2x8x128xf32, #tpu.memory_space<hbm>>
        %dma_wait3A_291 = tpu.memref_squeeze %dma_wait3A_290 : memref<1x2x8x128xf32, #tpu.memory_space<hbm>> -> memref<2x8x128xf32, #tpu.memory_space<hbm>>
        %dma_wait3A_292 = arith.constant 0 : i32
        %dma_wait3A_293 = arith.constant 0 : i32
        %dma_wait3A_294 = arith.constant 0 : i32
        %dma_wait3A_295 = tpu.memref_slice %arg12[%rem3A_205, %dma_wait3A_292, %dma_wait3A_293, %dma_wait3A_294] : memref<2x2x8x129xf32, #tpu.memory_space<vmem>> -> memref<1x2x8x128xf32, #tpu.memory_space<vmem>>
        %dma_wait3A_296 = tpu.memref_squeeze %dma_wait3A_295 : memref<1x2x8x128xf32, #tpu.memory_space<vmem>> -> memref<2x8x128xf32, #tpu.memory_space<vmem>>
        tpu.wait_dma2 semaphore(%dma_wait3A_286 : memref<!tpu.dma_semaphore, #tpu.memory_space<semaphore_mem>>) src(%dma_wait3A_296 : memref<2x8x128xf32, #tpu.memory_space<vmem>>) dst(%dma_wait3A_291 : memref<2x8x128xf32, #tpu.memory_space<hbm>>)
      } else {
      }
      %scan3A_241 = arith.constant 0 : i32
      %scan3A_242 = arith.constant 0 : i32
      %scan3A_243 = arith.constant 128 : i32
      %scan3A_244 = arith.addi %scan3A_242, %scan3A_243 : i32
      %scan3A_245 = arith.constant 4 : i32
      %scan3A_246 = scf.for %scan3A_272 = %scan3A_242 to %scan3A_244 step %scan3A_245 iter_args(%scan3A_273 = %scan3A_241) -> (i32)  : i32 {
        %get3A = arith.index_cast %rem3A_203 : i32 to index
        %get3A_274 = arith.index_cast %scan3A_272 : i32 to index
        %get3A_275 = arith.constant 0 : index
        %get3A_276 = tpu.vector_load %arg10[%get3A, %get3A_274, %get3A_275] {strides = array<i32>} : memref<4x128x16xf32, #tpu.memory_space<vmem>>, vector<16xf32>,
        %get3A_277 = arith.index_cast %rem3A_203 : i32 to index
        %get3A_278 = arith.index_cast %scan3A_272 : i32 to index
        %get3A_279 = arith.constant 0 : index
        %get3A_280 = tpu.vector_load %arg11[%get3A_277, %get3A_278, %get3A_279] {strides = array<i32>} : memref<4x128x16xf32, #tpu.memory_space<vmem>>, vector<16xf32>,
        %broadcast_in_dim3A = vector.broadcast %scan3A_272 : i32 to vector<16xi32>
        %add3A_281 = arith.addf %get3A_276, %get3A_280 : vector<16xf32>
        %scatter3A = arith.constant 0 : i32
        %scatter3A_282 = arith.constant 0 : i32
        %scatter3A_283 = arith.constant 0 : i32
        %scatter3A_284 = tpu.memref_slice %arg12[%rem3A_205, %scatter3A, %scatter3A_282, %scatter3A_283] : memref<2x2x8x129xf32, #tpu.memory_space<vmem>> -> memref<1x2x8x129xf32, #tpu.memory_space<vmem>>
        %scatter3A_285 = tpu.memref_squeeze %scatter3A_284 : memref<1x2x8x129xf32, #tpu.memory_space<vmem>> -> memref<2x8x129xf32, #tpu.memory_space<vmem>>
        tpu.vector_store_idx %scatter3A_285[%select_n3A, %select_n3A_46, %broadcast_in_dim3A], %add3A_281 : memref<2x8x129xf32, #tpu.memory_space<vmem>>[vector<16xi32>, vector<16xi32>, vector<16xi32>], vector<16xf32>,
        %scan3A_286 = arith.constant 0 : i32
        %scan3A_287 = arith.constant 1 : i32
        %scan3A_288 = arith.addi %scan3A_272, %scan3A_287 : i32
        %get3A_289 = arith.index_cast %rem3A_203 : i32 to index
        %get3A_290 = arith.index_cast %scan3A_288 : i32 to index
        %get3A_291 = arith.constant 0 : index
        %get3A_292 = tpu.vector_load %arg10[%get3A_289, %get3A_290, %get3A_291] {strides = array<i32>} : memref<4x128x16xf32, #tpu.memory_space<vmem>>, vector<16xf32>,
        %get3A_293 = arith.index_cast %rem3A_203 : i32 to index
        %get3A_294 = arith.index_cast %scan3A_288 : i32 to index
        %get3A_295 = arith.constant 0 : index
        %get3A_296 = tpu.vector_load %arg11[%get3A_293, %get3A_294, %get3A_295] {strides = array<i32>} : memref<4x128x16xf32, #tpu.memory_space<vmem>>, vector<16xf32>,
        %broadcast_in_dim3A_297 = vector.broadcast %scan3A_288 : i32 to vector<16xi32>
        %add3A_298 = arith.addf %get3A_292, %get3A_296 : vector<16xf32>
        %scatter3A_299 = arith.constant 0 : i32
        %scatter3A_300 = arith.constant 0 : i32
        %scatter3A_301 = arith.constant 0 : i32
        %scatter3A_302 = tpu.memref_slice %arg12[%rem3A_205, %scatter3A_299, %scatter3A_300, %scatter3A_301] : memref<2x2x8x129xf32, #tpu.memory_space<vmem>> -> memref<1x2x8x129xf32, #tpu.memory_space<vmem>>
        %scatter3A_303 = tpu.memref_squeeze %scatter3A_302 : memref<1x2x8x129xf32, #tpu.memory_space<vmem>> -> memref<2x8x129xf32, #tpu.memory_space<vmem>>
        tpu.vector_store_idx %scatter3A_303[%select_n3A, %select_n3A_46, %broadcast_in_dim3A_297], %add3A_298 : memref<2x8x129xf32, #tpu.memory_space<vmem>>[vector<16xi32>, vector<16xi32>, vector<16xi32>], vector<16xf32>,
        %scan3A_304 = arith.constant 0 : i32
        %scan3A_305 = arith.constant 2 : i32
        %scan3A_306 = arith.addi %scan3A_272, %scan3A_305 : i32
        %get3A_307 = arith.index_cast %rem3A_203 : i32 to index
        %get3A_308 = arith.index_cast %scan3A_306 : i32 to index
        %get3A_309 = arith.constant 0 : index
        %get3A_310 = tpu.vector_load %arg10[%get3A_307, %get3A_308, %get3A_309] {strides = array<i32>} : memref<4x128x16xf32, #tpu.memory_space<vmem>>, vector<16xf32>,
        %get3A_311 = arith.index_cast %rem3A_203 : i32 to index
        %get3A_312 = arith.index_cast %scan3A_306 : i32 to index
        %get3A_313 = arith.constant 0 : index
        %get3A_314 = tpu.vector_load %arg11[%get3A_311, %get3A_312, %get3A_313] {strides = array<i32>} : memref<4x128x16xf32, #tpu.memory_space<vmem>>, vector<16xf32>,
        %broadcast_in_dim3A_315 = vector.broadcast %scan3A_306 : i32 to vector<16xi32>
        %add3A_316 = arith.addf %get3A_310, %get3A_314 : vector<16xf32>
        %scatter3A_317 = arith.constant 0 : i32
        %scatter3A_318 = arith.constant 0 : i32
        %scatter3A_319 = arith.constant 0 : i32
        %scatter3A_320 = tpu.memref_slice %arg12[%rem3A_205, %scatter3A_317, %scatter3A_318, %scatter3A_319] : memref<2x2x8x129xf32, #tpu.memory_space<vmem>> -> memref<1x2x8x129xf32, #tpu.memory_space<vmem>>
        %scatter3A_321 = tpu.memref_squeeze %scatter3A_320 : memref<1x2x8x129xf32, #tpu.memory_space<vmem>> -> memref<2x8x129xf32, #tpu.memory_space<vmem>>
        tpu.vector_store_idx %scatter3A_321[%select_n3A, %select_n3A_46, %broadcast_in_dim3A_315], %add3A_316 : memref<2x8x129xf32, #tpu.memory_space<vmem>>[vector<16xi32>, vector<16xi32>, vector<16xi32>], vector<16xf32>,
        %scan3A_322 = arith.constant 0 : i32
        %scan3A_323 = arith.constant 3 : i32
        %scan3A_324 = arith.addi %scan3A_272, %scan3A_323 : i32
        %get3A_325 = arith.index_cast %rem3A_203 : i32 to index
        %get3A_326 = arith.index_cast %scan3A_324 : i32 to index
        %get3A_327 = arith.constant 0 : index
        %get3A_328 = tpu.vector_load %arg10[%get3A_325, %get3A_326, %get3A_327] {strides = array<i32>} : memref<4x128x16xf32, #tpu.memory_space<vmem>>, vector<16xf32>,
        %get3A_329 = arith.index_cast %rem3A_203 : i32 to index
        %get3A_330 = arith.index_cast %scan3A_324 : i32 to index
        %get3A_331 = arith.constant 0 : index
        %get3A_332 = tpu.vector_load %arg11[%get3A_329, %get3A_330, %get3A_331] {strides = array<i32>} : memref<4x128x16xf32, #tpu.memory_space<vmem>>, vector<16xf32>,
        %broadcast_in_dim3A_333 = vector.broadcast %scan3A_324 : i32 to vector<16xi32>
        %add3A_334 = arith.addf %get3A_328, %get3A_332 : vector<16xf32>
        %scatter3A_335 = arith.constant 0 : i32
        %scatter3A_336 = arith.constant 0 : i32
        %scatter3A_337 = arith.constant 0 : i32
        %scatter3A_338 = tpu.memref_slice %arg12[%rem3A_205, %scatter3A_335, %scatter3A_336, %scatter3A_337] : memref<2x2x8x129xf32, #tpu.memory_space<vmem>> -> memref<1x2x8x129xf32, #tpu.memory_space<vmem>>
        %scatter3A_339 = tpu.memref_squeeze %scatter3A_338 : memref<1x2x8x129xf32, #tpu.memory_space<vmem>> -> memref<2x8x129xf32, #tpu.memory_space<vmem>>
        tpu.vector_store_idx %scatter3A_339[%select_n3A, %select_n3A_46, %broadcast_in_dim3A_333], %add3A_334 : memref<2x8x129xf32, #tpu.memory_space<vmem>>[vector<16xi32>, vector<16xi32>, vector<16xi32>], vector<16xf32>,
        %scan3A_340 = arith.constant 0 : i32
        scf.yield %scan3A_340 : i32
      }
      %scan3A_247 = arith.constant 128 : i32
      %add3A_248 = arith.addi %mul3A_2, %scan3A_200 : i32
      %dma_start3A_249 = arith.constant 0 : i32
      %dma_start3A_250 = arith.constant 0 : i32
      %dma_start3A_251 = arith.constant 0 : i32
      %dma_start3A_252 = tpu.memref_slice %arg12[%rem3A_205, %dma_start3A_249, %dma_start3A_250, %dma_start3A_251] : memref<2x2x8x129xf32, #tpu.memory_space<vmem>> -> memref<1x2x8x128xf32, #tpu.memory_space<vmem>>
      %dma_start3A_253 = tpu.memref_squeeze %dma_start3A_252 : memref<1x2x8x128xf32, #tpu.memory_space<vmem>> -> memref<2x8x128xf32, #tpu.memory_space<vmem>>
      %dma_start3A_254 = arith.constant 0 : i32
      %dma_start3A_255 = arith.constant 0 : i32
      %dma_start3A_256 = arith.constant 0 : i32
      %dma_start3A_257 = tpu.memref_slice %arg5[%add3A_248, %dma_start3A_254, %dma_start3A_255, %dma_start3A_256] : memref<2500x2x8x128xf32, #tpu.memory_space<hbm>> -> memref<1x2x8x128xf32, #tpu.memory_space<hbm>>
      %dma_start3A_258 = tpu.memref_squeeze %dma_start3A_257 : memref<1x2x8x128xf32, #tpu.memory_space<hbm>> -> memref<2x8x128xf32, #tpu.memory_space<hbm>>
      %dma_start3A_259 = tpu.memref_slice %arg15[%rem3A_205] : memref<2x!tpu.dma_semaphore, #tpu.memory_space<semaphore_mem>> -> memref<1x!tpu.dma_semaphore, #tpu.memory_space<semaphore_mem>>
      %dma_start3A_260 = tpu.memref_squeeze %dma_start3A_259 : memref<1x!tpu.dma_semaphore, #tpu.memory_space<semaphore_mem>> -> memref<!tpu.dma_semaphore, #tpu.memory_space<semaphore_mem>>
      %dma_start3A_261 = arith.constant 0 : i32
      %dma_start3A_262 = arith.constant 0 : i32
      %dma_start3A_263 = arith.constant 0 : i32
      %dma_start3A_264 = tpu.memref_slice %arg5[%add3A_248, %dma_start3A_261, %dma_start3A_262, %dma_start3A_263] : memref<2500x2x8x128xf32, #tpu.memory_space<hbm>> -> memref<1x2x8x128xf32, #tpu.memory_space<hbm>>
      %dma_start3A_265 = tpu.memref_squeeze %dma_start3A_264 : memref<1x2x8x128xf32, #tpu.memory_space<hbm>> -> memref<2x8x128xf32, #tpu.memory_space<hbm>>
      %dma_start3A_266 = arith.constant 0 : i32
      %dma_start3A_267 = arith.constant 0 : i32
      %dma_start3A_268 = arith.constant 0 : i32
      %dma_start3A_269 = tpu.memref_slice %arg12[%rem3A_205, %dma_start3A_266, %dma_start3A_267, %dma_start3A_268] : memref<2x2x8x129xf32, #tpu.memory_space<vmem>> -> memref<1x2x8x128xf32, #tpu.memory_space<vmem>>
      %dma_start3A_270 = tpu.memref_squeeze %dma_start3A_269 : memref<1x2x8x128xf32, #tpu.memory_space<vmem>> -> memref<2x8x128xf32, #tpu.memory_space<vmem>>
      tpu.enqueue_dma source(%dma_start3A_270 : memref<2x8x128xf32, #tpu.memory_space<vmem>>) target(%dma_start3A_265 : memref<2x8x128xf32, #tpu.memory_space<hbm>>) target_semaphore(%dma_start3A_260 : memref<!tpu.dma_semaphore, #tpu.memory_space<semaphore_mem>>)
      %scan3A_271 = arith.constant 0 : i32
      scf.yield %scan3A_271 : i32
    }
    %scan3A_141 = arith.constant 78 : i32
    %add3A_142 = arith.constant 78 : i32
    %add3A_143 = arith.addi %mul3A_2, %add3A_142 : i32
    %sub3A_144 = arith.constant 2 : i32
    %sub3A_145 = arith.subi %add3A_143, %sub3A_144 : i32
    %dma_wait3A = arith.constant 0 : i32
    %dma_wait3A_146 = arith.constant 0 : i32
    %dma_wait3A_147 = arith.constant 0 : i32
    %dma_wait3A_148 = arith.constant 0 : i32
    %dma_wait3A_149 = arith.constant 0 : i32
    %dma_wait3A_150 = tpu.memref_slice %arg12[%dma_wait3A, %dma_wait3A_147, %dma_wait3A_148, %dma_wait3A_149] : memref<2x2x8x129xf32, #tpu.memory_space<vmem>> -> memref<1x2x8x128xf32, #tpu.memory_space<vmem>>
    %dma_wait3A_151 = tpu.memref_squeeze %dma_wait3A_150 : memref<1x2x8x128xf32, #tpu.memory_space<vmem>> -> memref<2x8x128xf32, #tpu.memory_space<vmem>>
    %dma_wait3A_152 = arith.constant 0 : i32
    %dma_wait3A_153 = arith.constant 0 : i32
    %dma_wait3A_154 = arith.constant 0 : i32
    %dma_wait3A_155 = tpu.memref_slice %arg5[%sub3A_145, %dma_wait3A_152, %dma_wait3A_153, %dma_wait3A_154] : memref<2500x2x8x128xf32, #tpu.memory_space<hbm>> -> memref<1x2x8x128xf32, #tpu.memory_space<hbm>>
    %dma_wait3A_156 = tpu.memref_squeeze %dma_wait3A_155 : memref<1x2x8x128xf32, #tpu.memory_space<hbm>> -> memref<2x8x128xf32, #tpu.memory_space<hbm>>
    %dma_wait3A_157 = tpu.memref_slice %arg15[%dma_wait3A_146] : memref<2x!tpu.dma_semaphore, #tpu.memory_space<semaphore_mem>> -> memref<1x!tpu.dma_semaphore, #tpu.memory_space<semaphore_mem>>
    %dma_wait3A_158 = tpu.memref_squeeze %dma_wait3A_157 : memref<1x!tpu.dma_semaphore, #tpu.memory_space<semaphore_mem>> -> memref<!tpu.dma_semaphore, #tpu.memory_space<semaphore_mem>>
    %dma_wait3A_159 = arith.constant 0 : i32
    %dma_wait3A_160 = arith.constant 0 : i32
    %dma_wait3A_161 = arith.constant 0 : i32
    %dma_wait3A_162 = tpu.memref_slice %arg5[%sub3A_145, %dma_wait3A_159, %dma_wait3A_160, %dma_wait3A_161] : memref<2500x2x8x128xf32, #tpu.memory_space<hbm>> -> memref<1x2x8x128xf32, #tpu.memory_space<hbm>>
    %dma_wait3A_163 = tpu.memref_squeeze %dma_wait3A_162 : memref<1x2x8x128xf32, #tpu.memory_space<hbm>> -> memref<2x8x128xf32, #tpu.memory_space<hbm>>
    %dma_wait3A_164 = arith.constant 0 : i32
    %dma_wait3A_165 = arith.constant 0 : i32
    %dma_wait3A_166 = arith.constant 0 : i32
    %dma_wait3A_167 = tpu.memref_slice %arg12[%dma_wait3A, %dma_wait3A_164, %dma_wait3A_165, %dma_wait3A_166] : memref<2x2x8x129xf32, #tpu.memory_space<vmem>> -> memref<1x2x8x128xf32, #tpu.memory_space<vmem>>
    %dma_wait3A_168 = tpu.memref_squeeze %dma_wait3A_167 : memref<1x2x8x128xf32, #tpu.memory_space<vmem>> -> memref<2x8x128xf32, #tpu.memory_space<vmem>>
    tpu.wait_dma2 semaphore(%dma_wait3A_158 : memref<!tpu.dma_semaphore, #tpu.memory_space<semaphore_mem>>) src(%dma_wait3A_168 : memref<2x8x128xf32, #tpu.memory_space<vmem>>) dst(%dma_wait3A_163 : memref<2x8x128xf32, #tpu.memory_space<hbm>>)
    %add3A_169 = arith.constant 78 : i32
    %add3A_170 = arith.addi %mul3A_2, %add3A_169 : i32
    %sub3A_171 = arith.constant 1 : i32
    %sub3A_172 = arith.subi %add3A_170, %sub3A_171 : i32
    %dma_wait3A_173 = arith.constant 1 : i32
    %dma_wait3A_174 = arith.constant 1 : i32
    %dma_wait3A_175 = arith.constant 0 : i32
    %dma_wait3A_176 = arith.constant 0 : i32
    %dma_wait3A_177 = arith.constant 0 : i32
    %dma_wait3A_178 = tpu.memref_slice %arg12[%dma_wait3A_173, %dma_wait3A_175, %dma_wait3A_176, %dma_wait3A_177] : memref<2x2x8x129xf32, #tpu.memory_space<vmem>> -> memref<1x2x8x128xf32, #tpu.memory_space<vmem>>
    %dma_wait3A_179 = tpu.memref_squeeze %dma_wait3A_178 : memref<1x2x8x128xf32, #tpu.memory_space<vmem>> -> memref<2x8x128xf32, #tpu.memory_space<vmem>>
    %dma_wait3A_180 = arith.constant 0 : i32
    %dma_wait3A_181 = arith.constant 0 : i32
    %dma_wait3A_182 = arith.constant 0 : i32
    %dma_wait3A_183 = tpu.memref_slice %arg5[%sub3A_172, %dma_wait3A_180, %dma_wait3A_181, %dma_wait3A_182] : memref<2500x2x8x128xf32, #tpu.memory_space<hbm>> -> memref<1x2x8x128xf32, #tpu.memory_space<hbm>>
    %dma_wait3A_184 = tpu.memref_squeeze %dma_wait3A_183 : memref<1x2x8x128xf32, #tpu.memory_space<hbm>> -> memref<2x8x128xf32, #tpu.memory_space<hbm>>
    %dma_wait3A_185 = tpu.memref_slice %arg15[%dma_wait3A_174] : memref<2x!tpu.dma_semaphore, #tpu.memory_space<semaphore_mem>> -> memref<1x!tpu.dma_semaphore, #tpu.memory_space<semaphore_mem>>
    %dma_wait3A_186 = tpu.memref_squeeze %dma_wait3A_185 : memref<1x!tpu.dma_semaphore, #tpu.memory_space<semaphore_mem>> -> memref<!tpu.dma_semaphore, #tpu.memory_space<semaphore_mem>>
    %dma_wait3A_187 = arith.constant 0 : i32
    %dma_wait3A_188 = arith.constant 0 : i32
    %dma_wait3A_189 = arith.constant 0 : i32
    %dma_wait3A_190 = tpu.memref_slice %arg5[%sub3A_172, %dma_wait3A_187, %dma_wait3A_188, %dma_wait3A_189] : memref<2500x2x8x128xf32, #tpu.memory_space<hbm>> -> memref<1x2x8x128xf32, #tpu.memory_space<hbm>>
    %dma_wait3A_191 = tpu.memref_squeeze %dma_wait3A_190 : memref<1x2x8x128xf32, #tpu.memory_space<hbm>> -> memref<2x8x128xf32, #tpu.memory_space<hbm>>
    %dma_wait3A_192 = arith.constant 0 : i32
    %dma_wait3A_193 = arith.constant 0 : i32
    %dma_wait3A_194 = arith.constant 0 : i32
    %dma_wait3A_195 = tpu.memref_slice %arg12[%dma_wait3A_173, %dma_wait3A_192, %dma_wait3A_193, %dma_wait3A_194] : memref<2x2x8x129xf32, #tpu.memory_space<vmem>> -> memref<1x2x8x128xf32, #tpu.memory_space<vmem>>
    %dma_wait3A_196 = tpu.memref_squeeze %dma_wait3A_195 : memref<1x2x8x128xf32, #tpu.memory_space<vmem>> -> memref<2x8x128xf32, #tpu.memory_space<vmem>>
    tpu.wait_dma2 semaphore(%dma_wait3A_186 : memref<!tpu.dma_semaphore, #tpu.memory_space<semaphore_mem>>) src(%dma_wait3A_196 : memref<2x8x128xf32, #tpu.memory_space<vmem>>) dst(%dma_wait3A_191 : memref<2x8x128xf32, #tpu.memory_space<hbm>>)
    %lt3A_197 = arith.constant 4 : i32
    %lt3A_198 = arith.cmpi slt, %add3A, %lt3A_197 : i32
    %convert_element_type3A = arith.extui %lt3A_198 : i1 to i32
    %cond3A = arith.constant 0 : i32
    %cond3A_199 = arith.cmpi ne, %convert_element_type3A, %cond3A : i32
    scf.if %cond3A_199 {
      %add3A_200 = arith.constant 2496 : i32
      %add3A_201 = arith.addi %add3A_200, %add3A : i32
      %run_scoped3A_202 = arith.constant 0 : i32
      "tpu.region"() ({
        %run_scoped3A_320 = tpu.sem_alloc : memref<!tpu.dma_semaphore, #tpu.memory_space<semaphore_mem>>
        %dma_start3A_321 = arith.constant 0 : i32
        %dma_start3A_322 = tpu.memref_slice %arg4[%run_scoped3A_202, %add3A_201, %dma_start3A_321] : memref<2x2500x128xi32, #tpu.memory_space<hbm>> -> memref<1x1x128xi32, #tpu.memory_space<hbm>>
        %dma_start3A_323 = tpu.memref_squeeze %dma_start3A_322 : memref<1x1x128xi32, #tpu.memory_space<hbm>> -> memref<1x128xi32, #tpu.memory_space<hbm>>
        %dma_start3A_324 = arith.constant 0 : i32
        %dma_start3A_325 = tpu.memref_slice %arg4[%run_scoped3A_202, %add3A_201, %dma_start3A_324] : memref<2x2500x128xi32, #tpu.memory_space<hbm>> -> memref<1x1x128xi32, #tpu.memory_space<hbm>>
        %dma_start3A_326 = tpu.memref_squeeze %dma_start3A_325 : memref<1x1x128xi32, #tpu.memory_space<hbm>> -> memref<1x128xi32, #tpu.memory_space<hbm>>
        tpu.enqueue_dma source(%dma_start3A_326 : memref<1x128xi32, #tpu.memory_space<hbm>>) target(%arg8 : memref<1x128xi32, #tpu.memory_space<vmem>>) target_semaphore(%run_scoped3A_320 : memref<!tpu.dma_semaphore, #tpu.memory_space<semaphore_mem>>)
        %dma_wait3A_327 = arith.constant 0 : i32
        %dma_wait3A_328 = tpu.memref_slice %arg4[%run_scoped3A_202, %add3A_201, %dma_wait3A_327] : memref<2x2500x128xi32, #tpu.memory_space<hbm>> -> memref<1x1x128xi32, #tpu.memory_space<hbm>>
        %dma_wait3A_329 = tpu.memref_squeeze %dma_wait3A_328 : memref<1x1x128xi32, #tpu.memory_space<hbm>> -> memref<1x128xi32, #tpu.memory_space<hbm>>
        %dma_wait3A_330 = arith.constant 0 : i32
        %dma_wait3A_331 = tpu.memref_slice %arg4[%run_scoped3A_202, %add3A_201, %dma_wait3A_330] : memref<2x2500x128xi32, #tpu.memory_space<hbm>> -> memref<1x1x128xi32, #tpu.memory_space<hbm>>
        %dma_wait3A_332 = tpu.memref_squeeze %dma_wait3A_331 : memref<1x1x128xi32, #tpu.memory_space<hbm>> -> memref<1x128xi32, #tpu.memory_space<hbm>>
        tpu.wait_dma2 semaphore(%run_scoped3A_320 : memref<!tpu.dma_semaphore, #tpu.memory_space<semaphore_mem>>) src(%dma_wait3A_332 : memref<1x128xi32, #tpu.memory_space<hbm>>) dst(%arg8 : memref<1x128xi32, #tpu.memory_space<vmem>>)
        tpu.yield
      }) : () -> ()
      %run_scoped3A_203 = arith.constant 1 : i32
      "tpu.region"() ({
        %run_scoped3A_320 = tpu.sem_alloc : memref<!tpu.dma_semaphore, #tpu.memory_space<semaphore_mem>>
        %dma_start3A_321 = arith.constant 0 : i32
        %dma_start3A_322 = tpu.memref_slice %arg4[%run_scoped3A_203, %add3A_201, %dma_start3A_321] : memref<2x2500x128xi32, #tpu.memory_space<hbm>> -> memref<1x1x128xi32, #tpu.memory_space<hbm>>
        %dma_start3A_323 = tpu.memref_squeeze %dma_start3A_322 : memref<1x1x128xi32, #tpu.memory_space<hbm>> -> memref<1x128xi32, #tpu.memory_space<hbm>>
        %dma_start3A_324 = arith.constant 0 : i32
        %dma_start3A_325 = tpu.memref_slice %arg4[%run_scoped3A_203, %add3A_201, %dma_start3A_324] : memref<2x2500x128xi32, #tpu.memory_space<hbm>> -> memref<1x1x128xi32, #tpu.memory_space<hbm>>
        %dma_start3A_326 = tpu.memref_squeeze %dma_start3A_325 : memref<1x1x128xi32, #tpu.memory_space<hbm>> -> memref<1x128xi32, #tpu.memory_space<hbm>>
        tpu.enqueue_dma source(%dma_start3A_326 : memref<1x128xi32, #tpu.memory_space<hbm>>) target(%arg9 : memref<1x128xi32, #tpu.memory_space<vmem>>) target_semaphore(%run_scoped3A_320 : memref<!tpu.dma_semaphore, #tpu.memory_space<semaphore_mem>>)
        %dma_wait3A_327 = arith.constant 0 : i32
        %dma_wait3A_328 = tpu.memref_slice %arg4[%run_scoped3A_203, %add3A_201, %dma_wait3A_327] : memref<2x2500x128xi32, #tpu.memory_space<hbm>> -> memref<1x1x128xi32, #tpu.memory_space<hbm>>
        %dma_wait3A_329 = tpu.memref_squeeze %dma_wait3A_328 : memref<1x1x128xi32, #tpu.memory_space<hbm>> -> memref<1x128xi32, #tpu.memory_space<hbm>>
        %dma_wait3A_330 = arith.constant 0 : i32
        %dma_wait3A_331 = tpu.memref_slice %arg4[%run_scoped3A_203, %add3A_201, %dma_wait3A_330] : memref<2x2500x128xi32, #tpu.memory_space<hbm>> -> memref<1x1x128xi32, #tpu.memory_space<hbm>>
        %dma_wait3A_332 = tpu.memref_squeeze %dma_wait3A_331 : memref<1x1x128xi32, #tpu.memory_space<hbm>> -> memref<1x128xi32, #tpu.memory_space<hbm>>
        tpu.wait_dma2 semaphore(%run_scoped3A_320 : memref<!tpu.dma_semaphore, #tpu.memory_space<semaphore_mem>>) src(%dma_wait3A_332 : memref<1x128xi32, #tpu.memory_space<hbm>>) dst(%arg9 : memref<1x128xi32, #tpu.memory_space<vmem>>)
        tpu.yield
      }) : () -> ()
      %dma_start3A_204 = arith.constant 0 : i32
      %dma_start3A_205 = arith.constant 0 : i32
      %dma_start3A_206 = arith.constant 0 : i32
      %dma_start3A_207 = arith.constant 0 : i32
      %dma_start3A_208 = arith.constant 0 : i32
      %dma_start3A_209 = tpu.memref_slice %arg10[%dma_start3A_205, %dma_start3A_207, %dma_start3A_208] : memref<4x128x16xf32, #tpu.memory_space<vmem>> -> memref<1x128x16xf32, #tpu.memory_space<vmem>>
      %dma_start3A_210 = tpu.memref_squeeze %dma_start3A_209 : memref<1x128x16xf32, #tpu.memory_space<vmem>> -> memref<128x16xf32, #tpu.memory_space<vmem>>
      %dma_start3A_211 = arith.constant 0 : i32
      %dma_start3A_212 = tpu.memref_slice %arg8[%dma_start3A_204, %dma_start3A_211] : memref<1x128xi32, #tpu.memory_space<vmem>> -> memref<1x128xi32, #tpu.memory_space<vmem>>
      %dma_start3A_213 = tpu.memref_squeeze %dma_start3A_212 : memref<1x128xi32, #tpu.memory_space<vmem>> -> memref<128xi32, #tpu.memory_space<vmem>>
      %dma_start3A_214 = arith.constant 0 : i32
      %dma_start3A_215 = arith.constant 0 : i32
      %dma_start3A_216 = tpu.memref_slice %arg2[%dma_start3A_214, %dma_start3A_215] : memref<10000x16xf32, #tpu.memory_space<hbm>> -> memref<10000x16xf32, #tpu.memory_space<hbm>>
      %dma_start3A_217 = tpu.memref_slice %arg13[%dma_start3A_206] : memref<4x!tpu.dma_semaphore, #tpu.memory_space<semaphore_mem>> -> memref<1x!tpu.dma_semaphore, #tpu.memory_space<semaphore_mem>>
      %dma_start3A_218 = tpu.memref_squeeze %dma_start3A_217 : memref<1x!tpu.dma_semaphore, #tpu.memory_space<semaphore_mem>> -> memref<!tpu.dma_semaphore, #tpu.memory_space<semaphore_mem>>
      tpu.enqueue_indirect_dma source(%dma_start3A_216 : memref<10000x16xf32, #tpu.memory_space<hbm>>) target(%dma_start3A_210 : memref<128x16xf32, #tpu.memory_space<vmem>>) offsets(%dma_start3A_213 : memref<128xi32, #tpu.memory_space<vmem>>) semaphore(%dma_start3A_218 : memref<!tpu.dma_semaphore, #tpu.memory_space<semaphore_mem>>)
      %dma_start3A_219 = arith.constant 0 : i32
      %dma_start3A_220 = arith.constant 0 : i32
      %dma_start3A_221 = arith.constant 0 : i32
      %dma_start3A_222 = arith.constant 0 : i32
      %dma_start3A_223 = arith.constant 0 : i32
      %dma_start3A_224 = tpu.memref_slice %arg11[%dma_start3A_220, %dma_start3A_222, %dma_start3A_223] : memref<4x128x16xf32, #tpu.memory_space<vmem>> -> memref<1x128x16xf32, #tpu.memory_space<vmem>>
      %dma_start3A_225 = tpu.memref_squeeze %dma_start3A_224 : memref<1x128x16xf32, #tpu.memory_space<vmem>> -> memref<128x16xf32, #tpu.memory_space<vmem>>
      %dma_start3A_226 = arith.constant 0 : i32
      %dma_start3A_227 = tpu.memref_slice %arg9[%dma_start3A_219, %dma_start3A_226] : memref<1x128xi32, #tpu.memory_space<vmem>> -> memref<1x128xi32, #tpu.memory_space<vmem>>
      %dma_start3A_228 = tpu.memref_squeeze %dma_start3A_227 : memref<1x128xi32, #tpu.memory_space<vmem>> -> memref<128xi32, #tpu.memory_space<vmem>>
      %dma_start3A_229 = arith.constant 0 : i32
      %dma_start3A_230 = arith.constant 0 : i32
      %dma_start3A_231 = tpu.memref_slice %arg3[%dma_start3A_229, %dma_start3A_230] : memref<10000x16xf32, #tpu.memory_space<hbm>> -> memref<10000x16xf32, #tpu.memory_space<hbm>>
      %dma_start3A_232 = tpu.memref_slice %arg14[%dma_start3A_221] : memref<4x!tpu.dma_semaphore, #tpu.memory_space<semaphore_mem>> -> memref<1x!tpu.dma_semaphore, #tpu.memory_space<semaphore_mem>>
      %dma_start3A_233 = tpu.memref_squeeze %dma_start3A_232 : memref<1x!tpu.dma_semaphore, #tpu.memory_space<semaphore_mem>> -> memref<!tpu.dma_semaphore, #tpu.memory_space<semaphore_mem>>
      tpu.enqueue_indirect_dma source(%dma_start3A_231 : memref<10000x16xf32, #tpu.memory_space<hbm>>) target(%dma_start3A_225 : memref<128x16xf32, #tpu.memory_space<vmem>>) offsets(%dma_start3A_228 : memref<128xi32, #tpu.memory_space<vmem>>) semaphore(%dma_start3A_233 : memref<!tpu.dma_semaphore, #tpu.memory_space<semaphore_mem>>)
      %dma_wait3A_234 = arith.constant 0 : i32
      %dma_wait3A_235 = arith.constant 0 : i32
      %dma_wait3A_236 = arith.constant 0 : i32
      %dma_wait3A_237 = arith.constant 0 : i32
      %dma_wait3A_238 = arith.constant 0 : i32
      %dma_wait3A_239 = tpu.memref_slice %arg10[%dma_wait3A_235, %dma_wait3A_237, %dma_wait3A_238] : memref<4x128x16xf32, #tpu.memory_space<vmem>> -> memref<1x128x16xf32, #tpu.memory_space<vmem>>
      %dma_wait3A_240 = tpu.memref_squeeze %dma_wait3A_239 : memref<1x128x16xf32, #tpu.memory_space<vmem>> -> memref<128x16xf32, #tpu.memory_space<vmem>>
      %dma_wait3A_241 = arith.constant 0 : i32
      %dma_wait3A_242 = tpu.memref_slice %arg8[%dma_wait3A_234, %dma_wait3A_241] : memref<1x128xi32, #tpu.memory_space<vmem>> -> memref<1x128xi32, #tpu.memory_space<vmem>>
      %dma_wait3A_243 = tpu.memref_squeeze %dma_wait3A_242 : memref<1x128xi32, #tpu.memory_space<vmem>> -> memref<128xi32, #tpu.memory_space<vmem>>
      %dma_wait3A_244 = arith.constant 0 : i32
      %dma_wait3A_245 = arith.constant 0 : i32
      %dma_wait3A_246 = tpu.memref_slice %arg2[%dma_wait3A_244, %dma_wait3A_245] : memref<10000x16xf32, #tpu.memory_space<hbm>> -> memref<10000x16xf32, #tpu.memory_space<hbm>>
      %dma_wait3A_247 = tpu.memref_slice %arg13[%dma_wait3A_236] : memref<4x!tpu.dma_semaphore, #tpu.memory_space<semaphore_mem>> -> memref<1x!tpu.dma_semaphore, #tpu.memory_space<semaphore_mem>>
      %dma_wait3A_248 = tpu.memref_squeeze %dma_wait3A_247 : memref<1x!tpu.dma_semaphore, #tpu.memory_space<semaphore_mem>> -> memref<!tpu.dma_semaphore, #tpu.memory_space<semaphore_mem>>
      tpu.wait_indirect_dma semaphore(%dma_wait3A_248 : memref<!tpu.dma_semaphore, #tpu.memory_space<semaphore_mem>>) src(%dma_wait3A_246 : memref<10000x16xf32, #tpu.memory_space<hbm>>) dst(%dma_wait3A_240 : memref<128x16xf32, #tpu.memory_space<vmem>>)
      %dma_wait3A_249 = arith.constant 0 : i32
      %dma_wait3A_250 = arith.constant 0 : i32
      %dma_wait3A_251 = arith.constant 0 : i32
      %dma_wait3A_252 = arith.constant 0 : i32
      %dma_wait3A_253 = arith.constant 0 : i32
      %dma_wait3A_254 = tpu.memref_slice %arg11[%dma_wait3A_250, %dma_wait3A_252, %dma_wait3A_253] : memref<4x128x16xf32, #tpu.memory_space<vmem>> -> memref<1x128x16xf32, #tpu.memory_space<vmem>>
      %dma_wait3A_255 = tpu.memref_squeeze %dma_wait3A_254 : memref<1x128x16xf32, #tpu.memory_space<vmem>> -> memref<128x16xf32, #tpu.memory_space<vmem>>
      %dma_wait3A_256 = arith.constant 0 : i32
      %dma_wait3A_257 = tpu.memref_slice %arg9[%dma_wait3A_249, %dma_wait3A_256] : memref<1x128xi32, #tpu.memory_space<vmem>> -> memref<1x128xi32, #tpu.memory_space<vmem>>
      %dma_wait3A_258 = tpu.memref_squeeze %dma_wait3A_257 : memref<1x128xi32, #tpu.memory_space<vmem>> -> memref<128xi32, #tpu.memory_space<vmem>>
      %dma_wait3A_259 = arith.constant 0 : i32
      %dma_wait3A_260 = arith.constant 0 : i32
      %dma_wait3A_261 = tpu.memref_slice %arg3[%dma_wait3A_259, %dma_wait3A_260] : memref<10000x16xf32, #tpu.memory_space<hbm>> -> memref<10000x16xf32, #tpu.memory_space<hbm>>
      %dma_wait3A_262 = tpu.memref_slice %arg14[%dma_wait3A_251] : memref<4x!tpu.dma_semaphore, #tpu.memory_space<semaphore_mem>> -> memref<1x!tpu.dma_semaphore, #tpu.memory_space<semaphore_mem>>
      %dma_wait3A_263 = tpu.memref_squeeze %dma_wait3A_262 : memref<1x!tpu.dma_semaphore, #tpu.memory_space<semaphore_mem>> -> memref<!tpu.dma_semaphore, #tpu.memory_space<semaphore_mem>>
      tpu.wait_indirect_dma semaphore(%dma_wait3A_263 : memref<!tpu.dma_semaphore, #tpu.memory_space<semaphore_mem>>) src(%dma_wait3A_261 : memref<10000x16xf32, #tpu.memory_space<hbm>>) dst(%dma_wait3A_255 : memref<128x16xf32, #tpu.memory_space<vmem>>)
      %scan3A_264 = arith.constant 0 : i32
      %scan3A_265 = arith.constant 0 : i32
      %scan3A_266 = arith.constant 0 : i32
      %scan3A_267 = arith.constant 128 : i32
      %scan3A_268 = arith.addi %scan3A_266, %scan3A_267 : i32
      %scan3A_269 = arith.constant 4 : i32
      %scan3A_270 = scf.for %scan3A_320 = %scan3A_266 to %scan3A_268 step %scan3A_269 iter_args(%scan3A_321 = %scan3A_265) -> (i32)  : i32 {
        %get3A = arith.constant 0 : i32
        %get3A_322 = arith.index_cast %get3A : i32 to index
        %get3A_323 = arith.index_cast %scan3A_320 : i32 to index
        %get3A_324 = arith.constant 0 : index
        %get3A_325 = tpu.vector_load %arg10[%get3A_322, %get3A_323, %get3A_324] {strides = array<i32>} : memref<4x128x16xf32, #tpu.memory_space<vmem>>, vector<16xf32>,
        %get3A_326 = arith.constant 0 : i32
        %get3A_327 = arith.index_cast %get3A_326 : i32 to index
        %get3A_328 = arith.index_cast %scan3A_320 : i32 to index
        %get3A_329 = arith.constant 0 : index
        %get3A_330 = tpu.vector_load %arg11[%get3A_327, %get3A_328, %get3A_329] {strides = array<i32>} : memref<4x128x16xf32, #tpu.memory_space<vmem>>, vector<16xf32>,
        %broadcast_in_dim3A = vector.broadcast %scan3A_320 : i32 to vector<16xi32>
        %add3A_331 = arith.addf %get3A_325, %get3A_330 : vector<16xf32>
        %scatter3A = arith.constant 0 : i32
        %scatter3A_332 = arith.constant 0 : i32
        %scatter3A_333 = arith.constant 0 : i32
        %scatter3A_334 = tpu.memref_slice %arg12[%scan3A_264, %scatter3A, %scatter3A_332, %scatter3A_333] : memref<2x2x8x129xf32, #tpu.memory_space<vmem>> -> memref<1x2x8x129xf32, #tpu.memory_space<vmem>>
        %scatter3A_335 = tpu.memref_squeeze %scatter3A_334 : memref<1x2x8x129xf32, #tpu.memory_space<vmem>> -> memref<2x8x129xf32, #tpu.memory_space<vmem>>
        tpu.vector_store_idx %scatter3A_335[%select_n3A, %select_n3A_46, %broadcast_in_dim3A], %add3A_331 : memref<2x8x129xf32, #tpu.memory_space<vmem>>[vector<16xi32>, vector<16xi32>, vector<16xi32>], vector<16xf32>,
        %scan3A_336 = arith.constant 0 : i32
        %scan3A_337 = arith.constant 1 : i32
        %scan3A_338 = arith.addi %scan3A_320, %scan3A_337 : i32
        %get3A_339 = arith.constant 0 : i32
        %get3A_340 = arith.index_cast %get3A_339 : i32 to index
        %get3A_341 = arith.index_cast %scan3A_338 : i32 to index
        %get3A_342 = arith.constant 0 : index
        %get3A_343 = tpu.vector_load %arg10[%get3A_340, %get3A_341, %get3A_342] {strides = array<i32>} : memref<4x128x16xf32, #tpu.memory_space<vmem>>, vector<16xf32>,
        %get3A_344 = arith.constant 0 : i32
        %get3A_345 = arith.index_cast %get3A_344 : i32 to index
        %get3A_346 = arith.index_cast %scan3A_338 : i32 to index
        %get3A_347 = arith.constant 0 : index
        %get3A_348 = tpu.vector_load %arg11[%get3A_345, %get3A_346, %get3A_347] {strides = array<i32>} : memref<4x128x16xf32, #tpu.memory_space<vmem>>, vector<16xf32>,
        %broadcast_in_dim3A_349 = vector.broadcast %scan3A_338 : i32 to vector<16xi32>
        %add3A_350 = arith.addf %get3A_343, %get3A_348 : vector<16xf32>
        %scatter3A_351 = arith.constant 0 : i32
        %scatter3A_352 = arith.constant 0 : i32
        %scatter3A_353 = arith.constant 0 : i32
        %scatter3A_354 = tpu.memref_slice %arg12[%scan3A_264, %scatter3A_351, %scatter3A_352, %scatter3A_353] : memref<2x2x8x129xf32, #tpu.memory_space<vmem>> -> memref<1x2x8x129xf32, #tpu.memory_space<vmem>>
        %scatter3A_355 = tpu.memref_squeeze %scatter3A_354 : memref<1x2x8x129xf32, #tpu.memory_space<vmem>> -> memref<2x8x129xf32, #tpu.memory_space<vmem>>
        tpu.vector_store_idx %scatter3A_355[%select_n3A, %select_n3A_46, %broadcast_in_dim3A_349], %add3A_350 : memref<2x8x129xf32, #tpu.memory_space<vmem>>[vector<16xi32>, vector<16xi32>, vector<16xi32>], vector<16xf32>,
        %scan3A_356 = arith.constant 0 : i32
        %scan3A_357 = arith.constant 2 : i32
        %scan3A_358 = arith.addi %scan3A_320, %scan3A_357 : i32
        %get3A_359 = arith.constant 0 : i32
        %get3A_360 = arith.index_cast %get3A_359 : i32 to index
        %get3A_361 = arith.index_cast %scan3A_358 : i32 to index
        %get3A_362 = arith.constant 0 : index
        %get3A_363 = tpu.vector_load %arg10[%get3A_360, %get3A_361, %get3A_362] {strides = array<i32>} : memref<4x128x16xf32, #tpu.memory_space<vmem>>, vector<16xf32>,
        %get3A_364 = arith.constant 0 : i32
        %get3A_365 = arith.index_cast %get3A_364 : i32 to index
        %get3A_366 = arith.index_cast %scan3A_358 : i32 to index
        %get3A_367 = arith.constant 0 : index
        %get3A_368 = tpu.vector_load %arg11[%get3A_365, %get3A_366, %get3A_367] {strides = array<i32>} : memref<4x128x16xf32, #tpu.memory_space<vmem>>, vector<16xf32>,
        %broadcast_in_dim3A_369 = vector.broadcast %scan3A_358 : i32 to vector<16xi32>
        %add3A_370 = arith.addf %get3A_363, %get3A_368 : vector<16xf32>
        %scatter3A_371 = arith.constant 0 : i32
        %scatter3A_372 = arith.constant 0 : i32
        %scatter3A_373 = arith.constant 0 : i32
        %scatter3A_374 = tpu.memref_slice %arg12[%scan3A_264, %scatter3A_371, %scatter3A_372, %scatter3A_373] : memref<2x2x8x129xf32, #tpu.memory_space<vmem>> -> memref<1x2x8x129xf32, #tpu.memory_space<vmem>>
        %scatter3A_375 = tpu.memref_squeeze %scatter3A_374 : memref<1x2x8x129xf32, #tpu.memory_space<vmem>> -> memref<2x8x129xf32, #tpu.memory_space<vmem>>
        tpu.vector_store_idx %scatter3A_375[%select_n3A, %select_n3A_46, %broadcast_in_dim3A_369], %add3A_370 : memref<2x8x129xf32, #tpu.memory_space<vmem>>[vector<16xi32>, vector<16xi32>, vector<16xi32>], vector<16xf32>,
        %scan3A_376 = arith.constant 0 : i32
        %scan3A_377 = arith.constant 3 : i32
        %scan3A_378 = arith.addi %scan3A_320, %scan3A_377 : i32
        %get3A_379 = arith.constant 0 : i32
        %get3A_380 = arith.index_cast %get3A_379 : i32 to index
        %get3A_381 = arith.index_cast %scan3A_378 : i32 to index
        %get3A_382 = arith.constant 0 : index
        %get3A_383 = tpu.vector_load %arg10[%get3A_380, %get3A_381, %get3A_382] {strides = array<i32>} : memref<4x128x16xf32, #tpu.memory_space<vmem>>, vector<16xf32>,
        %get3A_384 = arith.constant 0 : i32
        %get3A_385 = arith.index_cast %get3A_384 : i32 to index
        %get3A_386 = arith.index_cast %scan3A_378 : i32 to index
        %get3A_387 = arith.constant 0 : index
        %get3A_388 = tpu.vector_load %arg11[%get3A_385, %get3A_386, %get3A_387] {strides = array<i32>} : memref<4x128x16xf32, #tpu.memory_space<vmem>>, vector<16xf32>,
        %broadcast_in_dim3A_389 = vector.broadcast %scan3A_378 : i32 to vector<16xi32>
        %add3A_390 = arith.addf %get3A_383, %get3A_388 : vector<16xf32>
        %scatter3A_391 = arith.constant 0 : i32
        %scatter3A_392 = arith.constant 0 : i32
        %scatter3A_393 = arith.constant 0 : i32
        %scatter3A_394 = tpu.memref_slice %arg12[%scan3A_264, %scatter3A_391, %scatter3A_392, %scatter3A_393] : memref<2x2x8x129xf32, #tpu.memory_space<vmem>> -> memref<1x2x8x129xf32, #tpu.memory_space<vmem>>
        %scatter3A_395 = tpu.memref_squeeze %scatter3A_394 : memref<1x2x8x129xf32, #tpu.memory_space<vmem>> -> memref<2x8x129xf32, #tpu.memory_space<vmem>>
        tpu.vector_store_idx %scatter3A_395[%select_n3A, %select_n3A_46, %broadcast_in_dim3A_389], %add3A_390 : memref<2x8x129xf32, #tpu.memory_space<vmem>>[vector<16xi32>, vector<16xi32>, vector<16xi32>], vector<16xf32>,
        %scan3A_396 = arith.constant 0 : i32
        scf.yield %scan3A_396 : i32
      }
      %scan3A_271 = arith.constant 128 : i32
      %dma_start3A_272 = arith.constant 0 : i32
      %dma_start3A_273 = arith.constant 0 : i32
      %dma_start3A_274 = arith.constant 0 : i32
      %dma_start3A_275 = arith.constant 0 : i32
      %dma_start3A_276 = arith.constant 0 : i32
      %dma_start3A_277 = tpu.memref_slice %arg12[%dma_start3A_272, %dma_start3A_274, %dma_start3A_275, %dma_start3A_276] : memref<2x2x8x129xf32, #tpu.memory_space<vmem>> -> memref<1x2x8x128xf32, #tpu.memory_space<vmem>>
      %dma_start3A_278 = tpu.memref_squeeze %dma_start3A_277 : memref<1x2x8x128xf32, #tpu.memory_space<vmem>> -> memref<2x8x128xf32, #tpu.memory_space<vmem>>
      %dma_start3A_279 = arith.constant 0 : i32
      %dma_start3A_280 = arith.constant 0 : i32
      %dma_start3A_281 = arith.constant 0 : i32
      %dma_start3A_282 = tpu.memref_slice %arg5[%add3A_201, %dma_start3A_279, %dma_start3A_280, %dma_start3A_281] : memref<2500x2x8x128xf32, #tpu.memory_space<hbm>> -> memref<1x2x8x128xf32, #tpu.memory_space<hbm>>
      %dma_start3A_283 = tpu.memref_squeeze %dma_start3A_282 : memref<1x2x8x128xf32, #tpu.memory_space<hbm>> -> memref<2x8x128xf32, #tpu.memory_space<hbm>>
      %dma_start3A_284 = tpu.memref_slice %arg15[%dma_start3A_273] : memref<2x!tpu.dma_semaphore, #tpu.memory_space<semaphore_mem>> -> memref<1x!tpu.dma_semaphore, #tpu.memory_space<semaphore_mem>>
      %dma_start3A_285 = tpu.memref_squeeze %dma_start3A_284 : memref<1x!tpu.dma_semaphore, #tpu.memory_space<semaphore_mem>> -> memref<!tpu.dma_semaphore, #tpu.memory_space<semaphore_mem>>
      %dma_start3A_286 = arith.constant 0 : i32
      %dma_start3A_287 = arith.constant 0 : i32
      %dma_start3A_288 = arith.constant 0 : i32
      %dma_start3A_289 = tpu.memref_slice %arg5[%add3A_201, %dma_start3A_286, %dma_start3A_287, %dma_start3A_288] : memref<2500x2x8x128xf32, #tpu.memory_space<hbm>> -> memref<1x2x8x128xf32, #tpu.memory_space<hbm>>
      %dma_start3A_290 = tpu.memref_squeeze %dma_start3A_289 : memref<1x2x8x128xf32, #tpu.memory_space<hbm>> -> memref<2x8x128xf32, #tpu.memory_space<hbm>>
      %dma_start3A_291 = arith.constant 0 : i32
      %dma_start3A_292 = arith.constant 0 : i32
      %dma_start3A_293 = arith.constant 0 : i32
      %dma_start3A_294 = tpu.memref_slice %arg12[%dma_start3A_272, %dma_start3A_291, %dma_start3A_292, %dma_start3A_293] : memref<2x2x8x129xf32, #tpu.memory_space<vmem>> -> memref<1x2x8x128xf32, #tpu.memory_space<vmem>>
      %dma_start3A_295 = tpu.memref_squeeze %dma_start3A_294 : memref<1x2x8x128xf32, #tpu.memory_space<vmem>> -> memref<2x8x128xf32, #tpu.memory_space<vmem>>
      tpu.enqueue_dma source(%dma_start3A_295 : memref<2x8x128xf32, #tpu.memory_space<vmem>>) target(%dma_start3A_290 : memref<2x8x128xf32, #tpu.memory_space<hbm>>) target_semaphore(%dma_start3A_285 : memref<!tpu.dma_semaphore, #tpu.memory_space<semaphore_mem>>)
      %dma_wait3A_296 = arith.constant 0 : i32
      %dma_wait3A_297 = arith.constant 0 : i32
      %dma_wait3A_298 = arith.constant 0 : i32
      %dma_wait3A_299 = arith.constant 0 : i32
      %dma_wait3A_300 = arith.constant 0 : i32
      %dma_wait3A_301 = tpu.memref_slice %arg12[%dma_wait3A_296, %dma_wait3A_298, %dma_wait3A_299, %dma_wait3A_300] : memref<2x2x8x129xf32, #tpu.memory_space<vmem>> -> memref<1x2x8x128xf32, #tpu.memory_space<vmem>>
      %dma_wait3A_302 = tpu.memref_squeeze %dma_wait3A_301 : memref<1x2x8x128xf32, #tpu.memory_space<vmem>> -> memref<2x8x128xf32, #tpu.memory_space<vmem>>
      %dma_wait3A_303 = arith.constant 0 : i32
      %dma_wait3A_304 = arith.constant 0 : i32
      %dma_wait3A_305 = arith.constant 0 : i32
      %dma_wait3A_306 = tpu.memref_slice %arg5[%add3A_201, %dma_wait3A_303, %dma_wait3A_304, %dma_wait3A_305] : memref<2500x2x8x128xf32, #tpu.memory_space<hbm>> -> memref<1x2x8x128xf32, #tpu.memory_space<hbm>>
      %dma_wait3A_307 = tpu.memref_squeeze %dma_wait3A_306 : memref<1x2x8x128xf32, #tpu.memory_space<hbm>> -> memref<2x8x128xf32, #tpu.memory_space<hbm>>
      %dma_wait3A_308 = tpu.memref_slice %arg15[%dma_wait3A_297] : memref<2x!tpu.dma_semaphore, #tpu.memory_space<semaphore_mem>> -> memref<1x!tpu.dma_semaphore, #tpu.memory_space<semaphore_mem>>
      %dma_wait3A_309 = tpu.memref_squeeze %dma_wait3A_308 : memref<1x!tpu.dma_semaphore, #tpu.memory_space<semaphore_mem>> -> memref<!tpu.dma_semaphore, #tpu.memory_space<semaphore_mem>>
      %dma_wait3A_310 = arith.constant 0 : i32
      %dma_wait3A_311 = arith.constant 0 : i32
      %dma_wait3A_312 = arith.constant 0 : i32
      %dma_wait3A_313 = tpu.memref_slice %arg5[%add3A_201, %dma_wait3A_310, %dma_wait3A_311, %dma_wait3A_312] : memref<2500x2x8x128xf32, #tpu.memory_space<hbm>> -> memref<1x2x8x128xf32, #tpu.memory_space<hbm>>
      %dma_wait3A_314 = tpu.memref_squeeze %dma_wait3A_313 : memref<1x2x8x128xf32, #tpu.memory_space<hbm>> -> memref<2x8x128xf32, #tpu.memory_space<hbm>>
      %dma_wait3A_315 = arith.constant 0 : i32
      %dma_wait3A_316 = arith.constant 0 : i32
      %dma_wait3A_317 = arith.constant 0 : i32
      %dma_wait3A_318 = tpu.memref_slice %arg12[%dma_wait3A_296, %dma_wait3A_315, %dma_wait3A_316, %dma_wait3A_317] : memref<2x2x8x129xf32, #tpu.memory_space<vmem>> -> memref<1x2x8x128xf32, #tpu.memory_space<vmem>>
      %dma_wait3A_319 = tpu.memref_squeeze %dma_wait3A_318 : memref<1x2x8x128xf32, #tpu.memory_space<vmem>> -> memref<2x8x128xf32, #tpu.memory_space<vmem>>
      tpu.wait_dma2 semaphore(%dma_wait3A_309 : memref<!tpu.dma_semaphore, #tpu.memory_space<semaphore_mem>>) src(%dma_wait3A_319 : memref<2x8x128xf32, #tpu.memory_space<vmem>>) dst(%dma_wait3A_314 : memref<2x8x128xf32, #tpu.memory_space<hbm>>)
    } else {
    }
    return
  }
}

module attributes {stable_mosaic.version = 14 : i64} {
  func.func @_node_body(%arg0: memref<10000x128xf32, #tpu.memory_space<vmem>>, %arg1: memref<10000x128xf32, #tpu.memory_space<vmem>>, %arg2: memref<128x32xf32, #tpu.memory_space<vmem>>, %arg3: memref<128x32xf32, #tpu.memory_space<vmem>>, %arg4: memref<1x32xf32, #tpu.memory_space<vmem>>, %arg5: memref<32x32xf32, #tpu.memory_space<vmem>>, %arg6: memref<1x32xf32, #tpu.memory_space<vmem>>, %arg7: memref<32x32xf32, #tpu.memory_space<vmem>>, %arg8: memref<10000x16xf32, #tpu.memory_space<vmem>>, %arg9: memref<10000x16xf32, #tpu.memory_space<vmem>>) attributes {dimension_semantics = [], scalar_prefetch = 0 : i64, scratch_operands = 0 : i64, tpu.core_type = #tpu.core_type<tc>} {
    %get3A = arith.constant 0 : index
    %get3A_0 = arith.constant 0 : index
    %get3A_1 = vector.load %arg0[%get3A, %get3A_0] : memref<10000x128xf32, #tpu.memory_space<vmem>>, vector<10000x128xf32>
    %get3A_2 = arith.constant 0 : index
    %get3A_3 = arith.constant 0 : index
    %get3A_4 = vector.load %arg2[%get3A_2, %get3A_3] : memref<128x32xf32, #tpu.memory_space<vmem>>, vector<128x32xf32>
    %dot_general3A = arith.constant dense<0.000000e+00> : vector<10000x32xf32>
    %dot_general3A_5 = tpu.matmul %get3A_1, %get3A_4, %dot_general3A {dimension_numbers = #tpu.dot_dimension_numbers<[1], [0], [0], [1], [0, 0, 1, 1], [], []>, transpose_lhs_hint = false} : vector<10000x128xf32>, vector<128x32xf32>, vector<10000x32xf32> -> vector<10000x32xf32>
    %get3A_6 = arith.constant 0 : index
    %get3A_7 = arith.constant 0 : index
    %get3A_8 = vector.load %arg1[%get3A_6, %get3A_7] : memref<10000x128xf32, #tpu.memory_space<vmem>>, vector<10000x128xf32>
    %get3A_9 = arith.constant 0 : index
    %get3A_10 = arith.constant 0 : index
    %get3A_11 = vector.load %arg3[%get3A_9, %get3A_10] : memref<128x32xf32, #tpu.memory_space<vmem>>, vector<128x32xf32>
    %dot_general3A_12 = arith.constant dense<0.000000e+00> : vector<10000x32xf32>
    %dot_general3A_13 = tpu.matmul %get3A_8, %get3A_11, %dot_general3A_12 {dimension_numbers = #tpu.dot_dimension_numbers<[1], [0], [0], [1], [0, 0, 1, 1], [], []>, transpose_lhs_hint = false} : vector<10000x128xf32>, vector<128x32xf32>, vector<10000x32xf32> -> vector<10000x32xf32>
    %add3A = arith.addf %dot_general3A_5, %dot_general3A_13 : vector<10000x32xf32>
    %get3A_14 = arith.constant 0 : index
    %get3A_15 = arith.constant 0 : index
    %get3A_16 = vector.load %arg4[%get3A_14, %get3A_15] : memref<1x32xf32, #tpu.memory_space<vmem>>, vector<1x32xf32>
    %add3A_17 = vector.broadcast %get3A_16 : vector<1x32xf32> to vector<10000x32xf32>
    %add3A_18 = arith.addf %add3A, %add3A_17 : vector<10000x32xf32>
    %max3A = arith.constant 0.000000e+00 : f32
    %max3A_19 = vector.broadcast %max3A : f32 to vector<10000x32xf32>
    %max3A_20 = arith.maximumf %add3A_18, %max3A_19 : vector<10000x32xf32>
    %get3A_21 = arith.constant 0 : index
    %get3A_22 = arith.constant 0 : index
    %get3A_23 = vector.load %arg5[%get3A_21, %get3A_22] : memref<32x32xf32, #tpu.memory_space<vmem>>, vector<32x32xf32>
    %dot_general3A_24 = arith.constant dense<0.000000e+00> : vector<10000x32xf32>
    %dot_general3A_25 = tpu.matmul %max3A_20, %get3A_23, %dot_general3A_24 {dimension_numbers = #tpu.dot_dimension_numbers<[1], [0], [0], [1], [0, 0, 1, 1], [], []>, transpose_lhs_hint = false} : vector<10000x32xf32>, vector<32x32xf32>, vector<10000x32xf32> -> vector<10000x32xf32>
    %get3A_26 = arith.constant 0 : index
    %get3A_27 = arith.constant 0 : index
    %get3A_28 = vector.load %arg6[%get3A_26, %get3A_27] : memref<1x32xf32, #tpu.memory_space<vmem>>, vector<1x32xf32>
    %add3A_29 = vector.broadcast %get3A_28 : vector<1x32xf32> to vector<10000x32xf32>
    %add3A_30 = arith.addf %dot_general3A_25, %add3A_29 : vector<10000x32xf32>
    %max3A_31 = arith.constant 0.000000e+00 : f32
    %max3A_32 = vector.broadcast %max3A_31 : f32 to vector<10000x32xf32>
    %max3A_33 = arith.maximumf %add3A_30, %max3A_32 : vector<10000x32xf32>
    %get3A_34 = arith.constant 0 : index
    %get3A_35 = arith.constant 0 : index
    %get3A_36 = vector.load %arg7[%get3A_34, %get3A_35] : memref<32x32xf32, #tpu.memory_space<vmem>>, vector<32x32xf32>
    %dot_general3A_37 = arith.constant dense<0.000000e+00> : vector<10000x32xf32>
    %dot_general3A_38 = tpu.matmul %max3A_33, %get3A_36, %dot_general3A_37 {dimension_numbers = #tpu.dot_dimension_numbers<[1], [0], [0], [1], [0, 0, 1, 1], [], []>, transpose_lhs_hint = false} : vector<10000x32xf32>, vector<32x32xf32>, vector<10000x32xf32> -> vector<10000x32xf32>
    %slice3A = vector.extract_strided_slice %dot_general3A_38 {offsets = [0, 0], sizes = [10000, 16], strides = [1, 1]} : vector<10000x32xf32> to vector<10000x16xf32>
    %swap3A = arith.constant 0 : index
    %swap3A_39 = arith.constant 0 : index
    %swap3A_40 = vector.load %arg8[%swap3A, %swap3A_39] : memref<10000x16xf32, #tpu.memory_space<vmem>>, vector<10000x16xf32>
    tpu.vector_store %arg8[%swap3A, %swap3A_39], %slice3A {strides = array<i32>} : memref<10000x16xf32, #tpu.memory_space<vmem>>, vector<10000x16xf32>,
    %slice3A_41 = vector.extract_strided_slice %dot_general3A_38 {offsets = [0, 16], sizes = [10000, 16], strides = [1, 1]} : vector<10000x32xf32> to vector<10000x16xf32>
    %swap3A_42 = arith.constant 0 : index
    %swap3A_43 = arith.constant 0 : index
    %swap3A_44 = vector.load %arg9[%swap3A_42, %swap3A_43] : memref<10000x16xf32, #tpu.memory_space<vmem>>, vector<10000x16xf32>
    tpu.vector_store %arg9[%swap3A_42, %swap3A_43], %slice3A_41 {strides = array<i32>} : memref<10000x16xf32, #tpu.memory_space<vmem>>, vector<10000x16xf32>,
    return
  }
}

module attributes {stable_mosaic.version = 14 : i64} {
  func.func @_edge_body(%arg0: i32, %arg1: memref<125x2x8x128xf32, #tpu.memory_space<vmem>>, %arg2: memref<16x16000xf32, #tpu.memory_space<vmem>>, %arg3: memref<16x16xf32, #tpu.memory_space<vmem>>, %arg4: memref<16x128xf32, #tpu.memory_space<vmem>>, %arg5: memref<16x16xf32, #tpu.memory_space<vmem>>, %arg6: memref<16x128xf32, #tpu.memory_space<vmem>>, %arg7: memref<16x16000xf32, #tpu.memory_space<vmem>>) attributes {dimension_semantics = [#tpu.dimension_semantics<arbitrary>], iteration_bounds = array<i64: 20>, scalar_prefetch = 0 : i64, scratch_operands = 0 : i64, tpu.core_type = #tpu.core_type<tc>, window_params = [{transform_indices = @transform_0, window_bounds = array<i64: 125, 2, 8, 128>}, {transform_indices = @transform_1, window_bounds = array<i64: 16, 16000>}, {pipeline_mode = #tpu.pipeline_mode<synchronous>, transform_indices = @transform_2, window_bounds = array<i64: 16, 16>}, {pipeline_mode = #tpu.pipeline_mode<synchronous>, transform_indices = @transform_3, window_bounds = array<i64: 16, 128>}, {pipeline_mode = #tpu.pipeline_mode<synchronous>, transform_indices = @transform_4, window_bounds = array<i64: 16, 16>}, {pipeline_mode = #tpu.pipeline_mode<synchronous>, transform_indices = @transform_5, window_bounds = array<i64: 16, 128>}, {transform_indices = @transform_6, window_bounds = array<i64: 16, 16000>}]} {
    %get3A = arith.constant 0 : index
    %get3A_0 = arith.constant 0 : index
    %get3A_1 = arith.constant 0 : index
    %get3A_2 = arith.constant 0 : index
    %get3A_3 = vector.load %arg1[%get3A, %get3A_0, %get3A_1, %get3A_2] : memref<125x2x8x128xf32, #tpu.memory_space<vmem>>, vector<125x1x8x128xf32>
    %get3A_4 = vector.shape_cast %get3A_3 : vector<125x1x8x128xf32> to vector<125x8x128xf32>
    %transpose3A = tpu.transpose %get3A_4, [1, 0, 2] : vector<125x8x128xf32> -> vector<8x125x128xf32>
    %reshape3A = vector.shape_cast %transpose3A : vector<8x125x128xf32> to vector<8x16000xf32>
    %get3A_5 = arith.constant 0 : index
    %get3A_6 = arith.constant 1 : index
    %get3A_7 = arith.constant 0 : index
    %get3A_8 = arith.constant 0 : index
    %get3A_9 = vector.load %arg1[%get3A_5, %get3A_6, %get3A_7, %get3A_8] : memref<125x2x8x128xf32, #tpu.memory_space<vmem>>, vector<125x1x8x128xf32>
    %get3A_10 = vector.shape_cast %get3A_9 : vector<125x1x8x128xf32> to vector<125x8x128xf32>
    %transpose3A_11 = tpu.transpose %get3A_10, [1, 0, 2] : vector<125x8x128xf32> -> vector<8x125x128xf32>
    %reshape3A_12 = vector.shape_cast %transpose3A_11 : vector<8x125x128xf32> to vector<8x16000xf32>
    %concatenate3A = tpu.concatenate %reshape3A, %reshape3A_12 in 0 : vector<8x16000xf32>, vector<8x16000xf32> -> vector<16x16000xf32>
    %get3A_13 = arith.constant 0 : index
    %get3A_14 = arith.constant 0 : index
    %get3A_15 = vector.load %arg3[%get3A_13, %get3A_14] : memref<16x16xf32, #tpu.memory_space<vmem>>, vector<16x16xf32>
    %get3A_16 = arith.constant 0 : index
    %get3A_17 = arith.constant 0 : index
    %get3A_18 = vector.load %arg2[%get3A_16, %get3A_17] : memref<16x16000xf32, #tpu.memory_space<vmem>>, vector<16x16000xf32>
    %dot_general3A = arith.constant dense<0.000000e+00> : vector<16x16000xf32>
    %dot_general3A_19 = tpu.matmul %get3A_15, %get3A_18, %dot_general3A {dimension_numbers = #tpu.dot_dimension_numbers<[1], [0], [0], [1], [0, 0, 1, 1], [], []>, transpose_lhs_hint = false} : vector<16x16xf32>, vector<16x16000xf32>, vector<16x16000xf32> -> vector<16x16000xf32>
    %add3A = arith.addf %dot_general3A_19, %concatenate3A : vector<16x16000xf32>
    %get3A_20 = arith.constant 0 : index
    %get3A_21 = arith.constant 0 : index
    %get3A_22 = vector.load %arg4[%get3A_20, %get3A_21] : memref<16x128xf32, #tpu.memory_space<vmem>>, vector<16x1xf32>
    %add3A_23 = vector.broadcast %get3A_22 : vector<16x1xf32> to vector<16x16000xf32>
    %add3A_24 = arith.addf %add3A, %add3A_23 : vector<16x16000xf32>
    %max3A = arith.constant 0.000000e+00 : f32
    %max3A_25 = vector.broadcast %max3A : f32 to vector<16x16000xf32>
    %max3A_26 = arith.maximumf %add3A_24, %max3A_25 : vector<16x16000xf32>
    %get3A_27 = arith.constant 0 : index
    %get3A_28 = arith.constant 0 : index
    %get3A_29 = vector.load %arg5[%get3A_27, %get3A_28] : memref<16x16xf32, #tpu.memory_space<vmem>>, vector<16x16xf32>
    %dot_general3A_30 = arith.constant dense<0.000000e+00> : vector<16x16000xf32>
    %dot_general3A_31 = tpu.matmul %get3A_29, %max3A_26, %dot_general3A_30 {dimension_numbers = #tpu.dot_dimension_numbers<[1], [0], [0], [1], [0, 0, 1, 1], [], []>, transpose_lhs_hint = false} : vector<16x16xf32>, vector<16x16000xf32>, vector<16x16000xf32> -> vector<16x16000xf32>
    %get3A_32 = arith.constant 0 : index
    %get3A_33 = arith.constant 0 : index
    %get3A_34 = vector.load %arg6[%get3A_32, %get3A_33] : memref<16x128xf32, #tpu.memory_space<vmem>>, vector<16x1xf32>
    %add3A_35 = vector.broadcast %get3A_34 : vector<16x1xf32> to vector<16x16000xf32>
    %add3A_36 = arith.addf %dot_general3A_31, %add3A_35 : vector<16x16000xf32>
    %swap3A = arith.constant 0 : index
    %swap3A_37 = arith.constant 0 : index
    %swap3A_38 = vector.load %arg7[%swap3A, %swap3A_37] : memref<16x16000xf32, #tpu.memory_space<vmem>>, vector<16x16000xf32>
    tpu.vector_store %arg7[%swap3A, %swap3A_37], %add3A_36 {strides = array<i32>} : memref<16x16000xf32, #tpu.memory_space<vmem>>, vector<16x16000xf32>,
    return
  }
  func.func @transform_0(%arg0: i32) -> (i32, i32, i32, i32) {
    %c0_i32 = arith.constant 0 : i32
    %c0_i32_0 = arith.constant 0 : i32
    %c0_i32_1 = arith.constant 0 : i32
    %c0_i32_2 = arith.constant 0 : i32
    return %arg0, %c0_i32, %c0_i32_0, %c0_i32_1 : i32, i32, i32, i32
  }
  func.func @transform_1(%arg0: i32) -> (i32, i32) {
    %c0_i32 = arith.constant 0 : i32
    %c0_i32_0 = arith.constant 0 : i32
    return %c0_i32, %arg0 : i32, i32
  }
  func.func @transform_2(%arg0: i32) -> (i32, i32) {
    %c0_i32 = arith.constant 0 : i32
    %c0_i32_0 = arith.constant 0 : i32
    %c0_i32_1 = arith.constant 0 : i32
    return %c0_i32, %c0_i32_0 : i32, i32
  }
  func.func @transform_3(%arg0: i32) -> (i32, i32) {
    %c0_i32 = arith.constant 0 : i32
    %c0_i32_0 = arith.constant 0 : i32
    %c0_i32_1 = arith.constant 0 : i32
    return %c0_i32, %c0_i32_0 : i32, i32
  }
  func.func @transform_4(%arg0: i32) -> (i32, i32) {
    %c0_i32 = arith.constant 0 : i32
    %c0_i32_0 = arith.constant 0 : i32
    %c0_i32_1 = arith.constant 0 : i32
    return %c0_i32, %c0_i32_0 : i32, i32
  }
  func.func @transform_5(%arg0: i32) -> (i32, i32) {
    %c0_i32 = arith.constant 0 : i32
    %c0_i32_0 = arith.constant 0 : i32
    %c0_i32_1 = arith.constant 0 : i32
    return %c0_i32, %c0_i32_0 : i32, i32
  }
  func.func @transform_6(%arg0: i32) -> (i32, i32) {
    %c0_i32 = arith.constant 0 : i32
    %c0_i32_0 = arith.constant 0 : i32
    return %c0_i32, %arg0 : i32, i32
  }
}

</mosaic_0001>

<sc_bundles>
// kernel: kernel.5.cloned.1.call-start
scs
__scs_entry_jumppad:
0x0: {  	(pc) =	sbr.rel $0x88, $3  }
0x1: {  	(tag) =	ssettag $0x0;
	lr =	simm.s32 $0x1  }
0x2: {  	[smem:$0x3F91] =	sst lr;
	_ =	strace $0xD0000000  }
0x3: {  	_ = 	snop  }
0x4: {  	_ = 	snop  }
0x5: {  	_ = 	snop  }
0x6: {  	_ = 	snop  }
0x7: {  	_ = 	snop  }
__scs_overlays_trampoline_lowered:
0x8: {  	[smem:$0x3FA0] =	sst s0  }
0x9: {  	[smem:$0x3FA1] =	sst s1  }
0xa: {  	[smem:$0x3FA2] =	sst s2  }
0xb: {  	[smem:$0x3FA3] =	sst s3  }
0xc: {  	[smem:$0x3FA4] =	sst s4  }
0xd: {  	[smem:$0x3FA5] =	sst s5  }
0xe: {  	[smem:$0x3FA6] =	sst s6  }
0xf: {  	[smem:$0x3FA7] =	sst s7  }
0x10: {  	[smem:$0x3FA8] =	sst s8  }
0x11: {  	[smem:$0x3FA9] =	sst s9;
	s0 =	simm.s32 @!p0 $0x0  }
0x12: {  	s1 =	sld [smem:$0x3F8F];
	s0 =	simm.s32 @p0 $0x1  }
0x13: {  	[smem:$0x3FAA] =	sst s0;
	s0 =	simm.s32 @!p1 $0x0  }
0x14: {  	s2 =	sld [smem:$0x3F8E];
	s0 =	simm.s32 @p1 $0x1  }
0x15: {  	[smem:$0x3FAB] =	sst s0;
	s0 =	simm.s32 @!p2 $0x0  }
0x16: {  	s3 =	sld [smem:$0x3FDB];
	s0 =	simm.s32 @p2 $0x1  }
0x17: {  	s4 =	simm.s32 $0x1BF5;
	[smem:$0x3FAD] =	sst s0  }
0x18: {  	s0 =	sld [smem:$0x3F90];
	_ =	swait.ge [sflag:s4], $0x0  }
0x19: {  	s7 =	sld [smem:$0x3F91]  }
0x1a: {  	s8 =	sadd.s32 $0xFFFFE003, lr  }
0x1b: {  	s9 =	sadd.s32 $0xFFFFFEF7, lr;
	s5 =	simm.s32 $0xFFFFFFFF;
	p2 =	slt.u32 s8, $0xFFFFF086  }
0x1c: {  	p1 =	slt.u32 s9, $0xF7A;
	s5 =	simm.s32 @!p2 $0x0  }
0x1d: {  	s5 =	simm.s32 @p1 $0x1;
	p0 =	seq.s32 s7, s2  }
0x1e: {  	s7 =	smul.u32 @!p0 $0xF7A, s2;
	p2 =	seq.s32 @!p0 s5, $0x0  }
0x1f: {  	s9 =	smul.u32 $0xF7A, s1;
	s8 =	simm.s32 @!p0 $0x1BF5;
	p2 =	por !p2, p0  }
0x20: {  	[sflag:s8] =	ssyncset.s32 @!p0 $0xFFFFF086;
	s6 =	sadd.s32 @!p0 s3, s7;
	s7 =	simm.s32 @!p0 $0x108  }
0x21: {  	s3 =	sadd.s32 s3, s9;
	s6 =	sadd.s32 @!p0 $0x88, s6;
	s7 =	simm.s32 @p2 $0x1082  }
0x22: {  	[simem:s7], [sflag:s8] =	dma.local @!p0 [hbm:s6], $0xF7A  }
0x23: {  	s9 =	sor.u32 $0xD0000000, s2;
	s6 =	simm.s32 $0x108;
	_ =	swait.ge @!p0 [sflag:s8], $0x0  }
0x24: {  	s3 =	sadd.s32 $0x88, s3;
	s6 =	simm.s32 @!p1 $0x1082;
	[sflag:s4] =	ssyncset.s32 $0xFFFFF086  }
0x25: {  	[simem:s6], [sflag:s4] =	dma.local [hbm:s3], $0xF7A  }
0x26: {  	[smem:$0x3F91] =	sst s1;
	(tag) =	ssettag s2;
	_ =	strace s9  }
0x27: {  	s1 =	sld [smem:$0x3FA1]  }
0x28: {  	s2 =	sld [smem:$0x3FA2]  }
0x29: {  	s4 =	sld [smem:$0x3FA4]  }
0x2a: {  	p0 =	seq.s32 s5, $0x0;
	s5 =	sld [smem:$0x3FA5]  }
0x2b: {  	s6 =	sld [smem:$0x3FA6]  }
0x2c: {  	s7 =	sld [smem:$0x3FA7]  }
0x2d: {  	s3 =	simm.s32 $0x108;
	s8 =	sld [smem:$0x3FA8]  }
0x2e: {  	s3 =	simm.s32 @!p0 $0x1082;
	s9 =	sld [smem:$0x3FA9]  }
0x2f: {  	lr =	sadd.s32 s0, s3;
	s0 =	sld [smem:$0x3FA0]  }
0x30: {  	s3 =	sld [smem:$0x3FA3]  }
0x31: {  	[smem:$0x3FAC] =	sst s10  }
0x32: {  	s10 =	sld [smem:$0x3FAA];
	_ =	sdelay $0x3  }
0x33: {  	p0 =	seq.s32 s10, $0x1;
	s10 =	sld [smem:$0x3FAC];
	_ =	sdelay $0x3  }
0x34: {  	[smem:$0x3FAC] =	sst s10  }
0x35: {  	s10 =	sld [smem:$0x3FAB];
	_ =	sdelay $0x3  }
0x36: {  	p1 =	seq.s32 s10, $0x1;
	s10 =	sld [smem:$0x3FAC];
	_ =	sdelay $0x3  }
0x37: {  	[smem:$0x3FAC] =	sst s10  }
0x38: {  	s10 =	sld [smem:$0x3FAD]  }
0x39: {  	_ = 	snop;
	(pc) =	sbr.ind lr, $3  }
0x3a: {  	_ = 	snop  }
0x3b: {  	_ = 	snop  }
0x3c: {  	p2 =	seq.s32 s10, $0x1;
	s10 =	sld [smem:$0x3FAC]  }
0x3d: {  	_ =	shalt  }
0x3e: {  	_ =	shalt  }
0x3f: {  	_ =	shalt  }
0x40: {  	_ =	shalt  }
0x41: {  	_ =	shalt  }
0x42: {  	_ =	shalt  }
0x43: {  	_ =	shalt  }
0x44: {  	_ =	shalt  }
0x45: {  	_ =	shalt  }
0x46: {  	_ =	shalt  }
0x47: {  	_ =	shalt  }
0x48: {  	_ =	shalt  }
0x49: {  	_ =	shalt  }
0x4a: {  	_ =	shalt  }
0x4b: {  	_ =	shalt  }
0x4c: {  	_ =	shalt  }
0x4d: {  	_ =	shalt  }
0x4e: {  	_ =	shalt  }
0x4f: {  	_ =	shalt  }
0x50: {  	_ =	shalt  }
0x51: {  	_ =	shalt  }
0x52: {  	_ =	shalt  }
0x53: {  	_ =	shalt  }
0x54: {  	_ =	shalt  }
0x55: {  	_ =	shalt  }
0x56: {  	_ =	shalt  }
0x57: {  	_ =	shalt  }
0x58: {  	_ =	shalt  }
0x59: {  	_ =	shalt  }
0x5a: {  	_ =	shalt  }
0x5b: {  	_ =	shalt  }
0x5c: {  	_ =	shalt  }
0x5d: {  	_ =	shalt  }
0x5e: {  	_ =	shalt  }
0x5f: {  	_ =	shalt  }
0x60: {  	_ =	shalt  }
0x61: {  	_ =	shalt  }
0x62: {  	_ =	shalt  }
0x63: {  	_ =	shalt  }
0x64: {  	_ =	shalt  }
0x65: {  	_ =	shalt  }
0x66: {  	_ =	shalt  }
0x67: {  	_ =	shalt  }
0x68: {  	_ =	shalt  }
0x69: {  	_ =	shalt  }
0x6a: {  	_ =	shalt  }
0x6b: {  	_ =	shalt  }
0x6c: {  	_ =	shalt  }
0x6d: {  	_ =	shalt  }
0x6e: {  	_ =	shalt  }
0x6f: {  	_ =	shalt  }
0x70: {  	_ =	shalt  }
0x71: {  	_ =	shalt  }
0x72: {  	_ =	shalt  }
0x73: {  	_ =	shalt  }
0x74: {  	_ =	shalt  }
0x75: {  	_ =	shalt  }
0x76: {  	_ =	shalt  }
0x77: {  	_ =	shalt  }
0x78: {  	_ =	shalt  }
0x79: {  	_ =	shalt  }
0x7a: {  	_ =	shalt  }
0x7b: {  	_ =	shalt  }
0x7c: {  	_ =	shalt  }
0x7d: {  	_ =	shalt  }
0x7e: {  	_ =	shalt  }
0x7f: {  	_ =	shalt  }
0x80: {  	_ =	shalt  }
0x81: {  	_ =	shalt  }
0x82: {  	_ =	shalt  }
0x83: {  	_ =	shalt  }
0x84: {  	_ =	shalt  }
0x85: {  	_ =	shalt  }
0x86: {  	_ =	shalt  }
0x87: {  	_ =	shalt  }
.Lfunc_end0:
.L_simem_size_0:
called_computation_lowered:
.L_overlay_start_0:
0x88: {  	s2 =	sld [smem:$0x3FD9]  }
0x89: {  	s3 =	sld [smem:$0x3FFE];
	_ =	sdelay $0x1  }
0x8a: {  	s1 =	srdreg.scid  }
0x8b: {  	s0 =	sand.u32 $0x1, s1  }
0x8c: {  	s17 =	sshll.u32 s0, $0xA;
	s2 =	sadd.s32 s3, s2  }
0x8d: {  	s2 =	sadd.s32 s2, s17  }
0x8e: {  	[smem:$0x3FB8] =	sst s2  }
0x8f: {  	_ = 	snop  }
0x90: {  	s2 =	sld [smem:$0x3FD0];
	(tm) =	ssettm $0x1  }
0x91: {  	s18 =	sld [smem:$0x3FFB];
	_ =	sdelay $0x3  }
0x92: {  	_ =	strace s18  }
0x93: {  	s3 =	sld [smem:$0x3FFC];
	_ =	sdelay $0x3  }
0x94: {  	_ =	strace s3  }
0x95: {  	s3 =	sld [smem:$0x3FFD];
	_ =	sdelay $0x3  }
0x96: {  	_ =	strace s3  }
0x97: {  	_ =	strace $0x8FFFFFFF  }
0x98: {  	s19 =	sld [smem:$0x3FDB];
	_ =	sdelay $0x1  }
0x99: {  	s4 =	simm.s32 $_scs_section_size  }
0x9a: {  	s5 =	simm.s32 $_size__tile_overlayer_lowered;
	s6 =	simm.s32 $_tile_overlayer_lowered  }
0x9b: {  	s22 =	simm.s32 $0x1BFF;
	s21 =	sshll.u32 s6, $0x1;
	s3 =	sadd.s32 s4, s19  }
0x9c: {  	s7 =	simm.s32 $0x0;
	s20 =	sshll.u32 s5, $0x1;
	s5 =	sadd.s32 s21, s3  }
0x9d: {  	[timem:s7], [sflag:s22] =	dma.local [hbm:s5], s20  }
0x9e: {  	_ =	swait.ge [sflag:s22], s20  }
0x9f: {  	s4 =	ssub.s32 $0x0, s20;
	[sflag:s22] =	ssyncset.done $0x0  }
0xa0: {  	[sflag:s22] =	ssyncadd.s32 s4;
	_ =	sdelay $0x1  }
0xa1: {  	s23 =	simm.s32 $0x1B8B  }
0xa2: {  	_ =	swait.ge [sflag:s23], $0x1  }
0xa3: {  	[sflag:s23] =	ssyncset.done $0x0  }
0xa4: {  	s25 =	simm.s32 $0x1B8E;
	s24 =	sld [smem:$0x3FFE];
	[sflag:s23] =	ssyncadd.s32 $0xFFFFFFFF  }
0xa5: {  	s26 =	simm.s32 $execute0_lowered;
	[smem:$0x3FD2] =	sst s25  }
0xa6: {  	s5 =	sshll.u32 s26, $0x1;
	_ =	strace $0x80000046;
	[dreg:$0x1] =	wrdreg $0xFFFFFFFF  }
0xa7: {  	s28 =	simm.s32 $_size_execute0_lowered;
	s3 =	sadd.s32 s3, s5;
	[dreg:$0x0] =	wrdreg $0x0  }
0xa8: {  	s5 =	sshll.u32 s28, $0x1;
	[dreg:$0x2] =	wrdreg s3  }
0xa9: {  	[dreg:$0x3] =	wrdreg s5  }
0xaa: {  	[dreg:$0x4] =	wrdreg $0xC0  }
0xab: {  	_ =	task [dreg:s7], $0x5FFFF  }
0xac: {  	[dreg:$0x1] =	wrdreg $0xFFFFFFFF  }
0xad: {  	[dreg:$0x0] =	wrdreg $0x60  }
0xae: {  	[dreg:$0x2] =	wrdreg s24  }
0xaf: {  	[dreg:$0x3] =	wrdreg s2  }
0xb0: {  	[dreg:$0x4] =	wrdreg $0x9  }
0xb1: {  	_ =	task.clear_ibuf [dreg:s7], $0x5FFFF;
	_ =	strace $0x90000046  }
0xb2: {  	s29 =	simm.s32 $0x9;
	_ =	strace $0x80000048  }
0xb3: {  	_ =	swait.ge [sflag:s29], $0x1  }
0xb4: {  	[sflag:s29] =	ssyncadd.s32 $0xFFFFFFFF  }
0xb5: {  	_ =	strace $0x90000048  }
0xb6: {  	_ =	sfence  }
0xb7: {  	s30 =	sld [smem:$0x0];
	_ =	sdelay $0x2  }
0xb8: {  	s31 =	sshll.u32 s1, $0xD;
	s1 =	sshrl.u32 s1, $0x2  }
0xb9: {  	s3 =	sand.u32 $0x4000, s31;
	s1 =	sadd.s32 s1, s30  }
0xba: {  	s0 =	sor.u32 s3, s0;
	s1 =	sshll.u32 s1, $0x11  }
0xbb: {  	s0 =	sor.u32 s1, s0  }
0xbc: {  	s0 =	sadd.s32 $0x8F2B, s0  }
0xbd: {  	[sflag:s0] =	ssyncadd.remote.s32 $0x1  }
0xbe: {  	_ =	sfence.sel $0xFFFF  }
0xbf: {  	[dreg:$0x0] =	wrdreg $0xFFFFFFFF;
	(pc) =	sbr.abs _section_cstart, $3  }
0xc0: {  	[dreg:$0x1] =	wrdreg $0xFFFFFFFF  }
0xc1: {  	_ =	task.clear_ibuf [dreg:s7], $0x2FFFF;
	_ =	strace $0x9FFFFFFF  }
0xc2: {  	(tm) =	ssettm $0x7FFFFFFF  }
0xc3: {  	_ =	shalt  }
tec
execute0_lowered:
.L_overlay_start_1:
0x0: {  	(tag) =	ssettag $0x1  }
0x1: {  	s0 =	rddreg [dreg:$0x0]  }
0x2: {  	s2 =	rddreg [dreg:$0x1];
	s3 =	simm.s32 $0x0  }
0x3: {  	s1 =	srdreg.scid;
	s18 =	stileid.u32;
	s13 =	simm.s32 $0xB  }
0x4: {  	s14 =	simm.s32 $0x2700;
	s15 =	simm.s32 $0x80;
	s16 =	simm.s32 $0x4F00  }
0x5: {  	s17 =	simm.s32 $0x6F00;
	s25 =	simm.s32 $0x9;
	s26 =	simm.s32 $0xA  }
0x6: {  	s30 =	simm.s32 $0x1;
	s31 =	simm.s32 $0x5;
	[smem:$0x7FF] =	sst s3  }
0x7: {  	s1 =	sand.u32 $0x1, s1;
	s4 =	sshll.u32 s18, $0x1;
	s5 =	sadd.s32 $0x1AE00, s0  }
0x8: {  	p0 =	sgt.u32 s18, $0x1;
	_ =	strace $0x80000047;
	s6 =	sor.u32 s1, s4  }
0x9: {  	s4 =	sadd.s32 $0x15E00, s0;
	s1 =	ssub.s32 $0x2, s1;
	s7 =	smul.u32 $0x2700, s6  }
0xa: {  	s8 =	sshrl.u32 s1, $0x1;
	s10 =	sor.u32 $0x9C0, s6;
	s6 =	smul.u32 $0x4E, s6  }
.Ltmp0:
0xb: {  	s0 =	sadd.s32 $0x2400, s0;
	s1 =	ssub.s32 s1, s8;
	(pc) =	sbr.rel .LBB2_1-.Ltmp0, $4  }
0xc: {  	s9 =	sshll.u32 s10, $0x4;
	s28 =	sshll.u32 s10, $0x8;
	s7 =	sshrl.u32 s7, $0x3  }
0xd: {  	s9 =	sadd.s32 s0, s9;
	s11 =	sadd.s32 s2, s28;
	s12 =	smax.u32 s1, $0x1  }
0xe: {  	v0 =	vlaneseq.u32;
	s1 =	simm.s32 $0x0;
	s7 =	sadd.s32 s0, s7;
	s29 =	sadd.s32 $0x9C40, s9  }
0xf: {  	v0 =	vmul.u32 $0x88, v0;
	s0 =	simm.s32 $0x8F00;
	s8 =	sadd.s32 $0x9C40, s7;
	[dreg:$0x3] =	wrdreg s29  }
.LBB2_9:
0x10: {  	s1 =	sadd.s32 $0x1, s1  }
0x11: {  	p1 =	sne.s32 s1, s12  }
.Ltmp1:
0x12: {  	_ = 	snop;
	(pc) =	sbr.rel @!p1 .LBB2_10-.Ltmp1, $1  }
0x13: {  	_ =	sdelay $0x3  }
.LBB2_1:
0x14: {  	[tilespmem:s3], [sflag:$0xB] =	stream.linear.gather [hbm4b:s7+s3], $0x2700, $0x38;
	[tilespmem:$0xA000] =	vst v63  }
0x15: {  	_ =	swait.ge [sflag:s13], $0x2700  }
0x16: {  	[sflag:s13] =	ssyncset.done $0x0  }
0x17: {  	[sflag:s13] =	ssyncadd.s32 $0xFFFFD900  }
0x18: {  	[tilespmem:s14], [sflag:$0xB] =	stream.linear.gather [hbm4b:s8+s3], $0x2700, $0x38;
	[tilespmem:$0xA000] =	vst v63  }
0x19: {  	_ =	swait.ge [sflag:s13], $0x2700  }
0x1a: {  	[sflag:s13] =	ssyncset.done $0x0  }
0x1b: {  	[sflag:s13] =	ssyncadd.s32 $0xFFFFD900  }
0x1c: {  	[tilespmem:s16], [sflag:$0x1] =	stream.indirect.gather [hbm4b:s4+s15], $0x10, s3, s15, $0xb8;
	[tilespmem:$0xA000] =	vst v63  }
0x1d: {  	_ = 	snop  }
0x1e: {  	[tilespmem:s17], [sflag:$0x5] =	stream.indirect.gather [hbm4b:s5+s15], $0x10, s14, s15, $0xb8;
	[tilespmem:$0xA000] =	vst v63  }
0x1f: {  	s10 =	simm.s32 $0x5700  }
0x20: {  	[tilespmem:s10], [sflag:$0x2] =	stream.indirect.gather [hbm4b:s4+s15], $0x10, s15, s15, $0xb8;
	[tilespmem:$0xA000] =	vst v63  }
0x21: {  	s22 =	simm.s32 $0x2780;
	s18 =	simm.s32 $0x7700  }
0x22: {  	[tilespmem:s18], [sflag:$0x6] =	stream.indirect.gather [hbm4b:s5+s15], $0x10, s22, s15, $0xb8;
	[tilespmem:$0xA000] =	vst v63  }
0x23: {  	s23 =	simm.s32 $0x100;
	s24 =	simm.s32 $0x5F00;
	s28 =	simm.s32 $0x2800  }
0x24: {  	[tilespmem:s24], [sflag:$0x3] =	stream.indirect.gather [hbm4b:s4+s15], $0x10, s23, s15, $0xb8;
	[tilespmem:$0xA000] =	vst v63  }
0x25: {  	s29 =	simm.s32 $0x7F00;
	s19 =	simm.s32 $0x0;
	s18 =	simm.s32 $0x0  }
0x26: {  	[tilespmem:s29], [sflag:$0x7] =	stream.indirect.gather [hbm4b:s5+s15], $0x10, s28, s15, $0xb8;
	[tilespmem:$0xA000] =	vst v63  }
.LBB2_2:
0x27: {  	p1 =	sgt.u32 s19, $0x4A  }
0x28: {  	s10 =	sadd.s32 @!p1 $0x3, s19  }
0x29: {  	s20 =	sand.u32 @!p1 $0x3, s10  }
0x2a: {  	s22 =	sand.u32 $0x3, s19;
	s28 =	simm.s32 @!p1 $0x80;
	s21 =	sshll.u32 @!p1 s20, $0xB  }
0x2b: {  	s10 =	sshll.u32 @!p1 s10, $0x7;
	s24 =	sadd.s32 @!p1 $0x1, s20;
	s23 =	sadd.s32 @!p1 $0x4F00, s21  }
0x2c: {  	[tilespmem:s23], [sflag:s24] =	stream.indirect.gather @!p1 [hbm4b:s4+s28], $0x10, s10, s28, $0xb8;
	[tilespmem:$0xA000] =	vst v63  }
0x2d: {  	s20 =	sadd.s32 @!p1 $0x5, s20;
	s21 =	sadd.s32 @!p1 $0x6F00, s21;
	s10 =	sadd.s32 @!p1 $0x2700, s10  }
0x2e: {  	[tilespmem:s21], [sflag:s20] =	stream.indirect.gather @!p1 [hbm4b:s5+s28], $0x10, s10, s28, $0xb8;
	[tilespmem:$0xA000] =	vst v63  }
0x2f: {  	s21 =	sadd.s32 $0x1, s22  }
0x30: {  	_ =	swait.ge [sflag:s21], $0x800  }
0x31: {  	[sflag:s21] =	ssyncset.done $0x0  }
0x32: {  	s22 =	sadd.s32 $0x5, s22;
	[sflag:s21] =	ssyncadd.s32 $0xFFFFF800  }
0x33: {  	_ =	swait.ge [sflag:s22], $0x800  }
0x34: {  	p1 =	slt.u32 s19, $0x2;
	s21 =	sand.u32 $0x1, s19;
	[sflag:s22] =	ssyncset.done $0x0  }
0x35: {  	s10 =	sadd.s32 @!p1 $0x9, s21;
	[sflag:s22] =	ssyncadd.s32 $0xFFFFF800  }
0x36: {  	s23 =	sshll.u32 s18, $0xB;
	_ =	swait.ge @!p1 [sflag:s10], $0x800  }
0x37: {  	s20 =	sand.u32 $0x1800, s23;
	[sflag:s10] =	ssyncset.done @!p1 $0x0  }
0x38: {  	s22 =	sadd.s32 $0x4F20, s20;
	[sflag:s10] =	ssyncadd.s32 @!p1 $0xFFFFF800  }
0x39: {  	s24 =	simm.s32 $0x0;
	s23 =	sadd.s32 $0x6F20, s20;
	v1 =	vld [tilespmem:s22+$0xFFFFFFE0]  }
0x3a: {  	v3 =	vmov s24;
	v2 =	vld [tilespmem:s23+$0xFFFFFFE0]  }
0x3b: {  	v3 =	vand.u32 $0x7C, v3  }
0x3c: {  	v3 =	vadd.s32 v0, v3  }
0x3d: {  	s28 =	smul.u32 $0x2200, s21;
	_ =	sdelay $0x1  }
0x3e: {  	s20 =	sshrl.u32 s28, $0x2;
	v1 =	vadd.f32 v2, v1  }
0x3f: {  	s10 =	sadd.s32 $0x8F00, s20  }
0x40: {  	[tilespmem:v3+s10+$0x0] =	vst.idx.msk $0xffff, v1  }
0x41: {  	s29 =	simm.s32 $0x1;
	v1 =	vld [tilespmem:s22+$0xFFFFFFF0]  }
0x42: {  	v2 =	vmov s29;
	v3 =	vld [tilespmem:s23+$0xFFFFFFF0]  }
0x43: {  	v2 =	vand.u32 $0x7D, v2  }
0x44: {  	v2 =	vadd.s32 v0, v2;
	_ =	sdelay $0x2  }
0x45: {  	v1 =	vadd.f32 v3, v1;
	_ =	sdelay $0x1  }
0x46: {  	[tilespmem:v2+s10+$0x0] =	vst.idx.msk $0xffff, v1  }
0x47: {  	s28 =	simm.s32 $0x2;
	v1 =	vld [tilespmem:s22+$0x0]  }
0x48: {  	v2 =	vmov s28;
	v3 =	vld [tilespmem:s23+$0x0]  }
0x49: {  	v2 =	vand.u32 $0x7E, v2  }
0x4a: {  	v2 =	vadd.s32 v0, v2;
	_ =	sdelay $0x2  }
0x4b: {  	v1 =	vadd.f32 v3, v1  }
0x4c: {  	s29 =	simm.s32 $0x3  }
0x4d: {  	v3 =	vmov s29;
	[tilespmem:v2+s10+$0x0] =	vst.idx.msk $0xffff, v1  }
0x4e: {  	v1 =	vand.u32 $0x7F, v3;
	v2 =	vld [tilespmem:s22+$0x10]  }
0x4f: {  	s24 =	simm.s32 $0x4;
	v1 =	vadd.s32 v0, v1;
	v3 =	vld [tilespmem:s23+$0x10]  }
.LBB2_3:
0x50: {  	_ =	sdelay $0x2  }
0x51: {  	p1 =	slt.u32 s24, $0x7C;
	s22 =	sadd.s32 $0x40, s22;
	s23 =	sadd.s32 $0x40, s23  }
0x52: {  	s28 =	smov.u32 s24;
	s24 =	sadd.s32 $0x4, s24;
	v2 =	vadd.f32 v3, v2;
	_ =	sdelay $0x1  }
0x53: {  	[tilespmem:v1+s10+$0x0] =	vst.idx.msk $0xffff, v2  }
0x54: {  	v1 =	vld [tilespmem:s22+$0xFFFFFFE0]  }
0x55: {  	v3 =	vmov s28;
	v2 =	vld [tilespmem:s23+$0xFFFFFFE0]  }
0x56: {  	v3 =	vand.u32 $0x7C, v3  }
0x57: {  	v3 =	vadd.s32 v0, v3;
	_ =	sdelay $0x2  }
0x58: {  	v1 =	vadd.f32 v2, v1;
	_ =	sdelay $0x1  }
0x59: {  	s29 =	sadd.s32 $0x1, s28;
	[tilespmem:v3+s10+$0x0] =	vst.idx.msk $0xffff, v1  }
0x5a: {  	v2 =	vmov s29;
	v1 =	vld [tilespmem:s22+$0xFFFFFFF0]  }
0x5b: {  	v2 =	vand.u32 $0x7D, v2;
	v3 =	vld [tilespmem:s23+$0xFFFFFFF0]  }
0x5c: {  	v2 =	vadd.s32 v0, v2;
	_ =	sdelay $0x3  }
0x5d: {  	v1 =	vadd.f32 v3, v1  }
0x5e: {  	s29 =	sadd.s32 $0x2, s28  }
0x5f: {  	[tilespmem:v2+s10+$0x0] =	vst.idx.msk $0xffff, v1;
	v1 =	vmov s29  }
0x60: {  	v2 =	vld [tilespmem:s22+$0x0];
	v1 =	vand.u32 $0x7E, v1  }
0x61: {  	v3 =	vld [tilespmem:s23+$0x0];
	v1 =	vadd.s32 v0, v1;
	_ =	sdelay $0x4  }
.Ltmp2:
0x62: {  	s28 =	sadd.s32 $0x3, s28;
	v2 =	vadd.f32 v3, v2;
	(pc) =	sbr.rel @p1 .LBB2_3-.Ltmp2, $4  }
0x63: {  	v3 =	vmov s28  }
0x64: {  	[tilespmem:v1+s10+$0x0] =	vst.idx.msk $0xffff, v2;
	v1 =	vand.u32 $0x7F, v3  }
0x65: {  	v2 =	vld [tilespmem:s22+$0x10];
	v1 =	vadd.s32 v0, v1  }
0x66: {  	v3 =	vld [tilespmem:s23+$0x10]  }
0x67: {  	_ =	sdelay $0x3  }
0x68: {  	s22 =	sadd.s32 s6, s19;
	v2 =	vadd.f32 v3, v2  }
0x69: {  	s22 =	sshll.u32 s22, $0x8  }
0x6a: {  	s21 =	sadd.s32 $0x9, s21;
	s22 =	sadd.s32 s2, s22;
	[tilespmem:v1+s10+$0x0] =	vst.idx.msk $0xffff, v2  }
0x6b: {  	[hbm4b:s22+s3] =	stream.linear.scatter [tilespmem:s10], [sflag:s21], $0x80, $0x38;
	[tilespmem:$0xA000] =	vst v63  }
0x6c: {  	s29 =	sadd.s32 $0x8F88, s20;
	s23 =	sadd.s32 $0x10, s22  }
0x6d: {  	[hbm4b:s23+s3] =	stream.linear.scatter [tilespmem:s29], [sflag:s21], $0x80, $0x38;
	[tilespmem:$0xA000] =	vst v63  }
0x6e: {  	s24 =	sadd.s32 $0x20, s22;
	s23 =	sadd.s32 $0x9010, s20  }
0x6f: {  	[hbm4b:s24+s3] =	stream.linear.scatter [tilespmem:s23], [sflag:s21], $0x80, $0x38;
	[tilespmem:$0xA000] =	vst v63  }
0x70: {  	s28 =	sadd.s32 $0x9098, s20;
	s29 =	sadd.s32 $0x30, s22  }
0x71: {  	[hbm4b:s29+s3] =	stream.linear.scatter [tilespmem:s28], [sflag:s21], $0x80, $0x38;
	[tilespmem:$0xA000] =	vst v63  }
0x72: {  	s23 =	sadd.s32 $0x9120, s20;
	s24 =	sadd.s32 $0x40, s22  }
0x73: {  	[hbm4b:s24+s3] =	stream.linear.scatter [tilespmem:s23], [sflag:s21], $0x80, $0x38;
	[tilespmem:$0xA000] =	vst v63  }
0x74: {  	s28 =	sadd.s32 $0x91A8, s20;
	s29 =	sadd.s32 $0x50, s22  }
0x75: {  	[hbm4b:s29+s3] =	stream.linear.scatter [tilespmem:s28], [sflag:s21], $0x80, $0x38;
	[tilespmem:$0xA000] =	vst v63  }
0x76: {  	s23 =	sadd.s32 $0x9230, s20;
	s24 =	sadd.s32 $0x60, s22  }
0x77: {  	[hbm4b:s24+s3] =	stream.linear.scatter [tilespmem:s23], [sflag:s21], $0x80, $0x38;
	[tilespmem:$0xA000] =	vst v63  }
0x78: {  	s28 =	sadd.s32 $0x92B8, s20;
	s29 =	sadd.s32 $0x70, s22  }
0x79: {  	[hbm4b:s29+s3] =	stream.linear.scatter [tilespmem:s28], [sflag:s21], $0x80, $0x38;
	[tilespmem:$0xA000] =	vst v63  }
0x7a: {  	s23 =	sadd.s32 $0x9340, s20;
	s24 =	sadd.s32 $0x80, s22  }
0x7b: {  	[hbm4b:s24+s3] =	stream.linear.scatter [tilespmem:s23], [sflag:s21], $0x80, $0x38;
	[tilespmem:$0xA000] =	vst v63  }
0x7c: {  	s28 =	sadd.s32 $0x93C8, s20;
	s29 =	sadd.s32 $0x90, s22  }
0x7d: {  	[hbm4b:s29+s3] =	stream.linear.scatter [tilespmem:s28], [sflag:s21], $0x80, $0x38;
	[tilespmem:$0xA000] =	vst v63  }
0x7e: {  	s23 =	sadd.s32 $0x9450, s20;
	s24 =	sadd.s32 $0xA0, s22  }
0x7f: {  	[hbm4b:s24+s3] =	stream.linear.scatter [tilespmem:s23], [sflag:s21], $0x80, $0x38;
	[tilespmem:$0xA000] =	vst v63  }
0x80: {  	s28 =	sadd.s32 $0x94D8, s20;
	s29 =	sadd.s32 $0xB0, s22  }
0x81: {  	[hbm4b:s29+s3] =	stream.linear.scatter [tilespmem:s28], [sflag:s21], $0x80, $0x38;
	[tilespmem:$0xA000] =	vst v63  }
0x82: {  	s19 =	sadd.s32 $0x1, s19;
	s23 =	sadd.s32 $0x9560, s20;
	s24 =	sadd.s32 $0xC0, s22  }
0x83: {  	[hbm4b:s24+s3] =	stream.linear.scatter [tilespmem:s23], [sflag:s21], $0x80, $0x38;
	[tilespmem:$0xA000] =	vst v63  }
0x84: {  	p1 =	sne.s32 s19, $0x4E;
	s28 =	sadd.s32 $0x95E8, s20;
	s29 =	sadd.s32 $0xD0, s22  }
0x85: {  	[hbm4b:s29+s3] =	stream.linear.scatter [tilespmem:s28], [sflag:s21], $0x80, $0x38;
	[tilespmem:$0xA000] =	vst v63  }
.Ltmp3:
0x86: {  	_ = 	snop;
	(pc) =	sbr.rel @p1 .LBB2_2-.Ltmp3, $4  }
0x87: {  	s23 =	sadd.s32 $0x9670, s20;
	s24 =	sadd.s32 $0xE0, s22  }
0x88: {  	[hbm4b:s24+s3] =	stream.linear.scatter [tilespmem:s23], [sflag:s21], $0x80, $0x38;
	[tilespmem:$0xA000] =	vst v63  }
0x89: {  	s18 =	sadd.s32 $0x1, s18;
	s28 =	sadd.s32 $0x96F8, s20;
	s29 =	sadd.s32 $0xF0, s22  }
0x8a: {  	[hbm4b:s29+s3] =	stream.linear.scatter [tilespmem:s28], [sflag:s21], $0x80, $0x38;
	[tilespmem:$0xA000] =	vst v63  }
0x8b: {  	_ =	swait.ge [sflag:s25], $0x800  }
.Ltmp4:
0x8c: {  	[sflag:s25] =	ssyncset.done $0x0;
	(pc) =	sbr.rel @p0 .LBB2_9-.Ltmp4, $4  }
0x8d: {  	[sflag:s25] =	ssyncadd.s32 $0xFFFFF800  }
0x8e: {  	_ =	swait.ge [sflag:s26], $0x800  }
0x8f: {  	[sflag:s26] =	ssyncset.done $0x0  }
0x90: {  	[sflag:s26] =	ssyncadd.s32 $0xFFFFF800  }
0x91: {  	s19 =	simm.s32 $0x0;
	s18 =	simm.s32 $0x4E00  }
0x92: {  	[tilespmem:s18], [sflag:$0xB] =	stream.linear.gather [hbm4b:s9+s19], $0x80, $0x38;
	[tilespmem:$0xA000] =	vst v63  }
0x93: {  	_ =	swait.ge [sflag:s13], $0x80  }
0x94: {  	[sflag:s13] =	ssyncset.done $0x0  }
0x95: {  	s20 =	simm.s32 $0x4E80;
	s10 =	rddreg [dreg:$0x3];
	[sflag:s13] =	ssyncadd.s32 $0xFFFFFF80  }
0x96: {  	[tilespmem:s20], [sflag:$0xB] =	stream.linear.gather [hbm4b:s10+s19], $0x80, $0x38;
	[tilespmem:$0xA000] =	vst v63  }
0x97: {  	_ =	swait.ge [sflag:s13], $0x80  }
0x98: {  	[sflag:s13] =	ssyncset.done $0x0  }
0x99: {  	[sflag:s13] =	ssyncadd.s32 $0xFFFFFF80  }
0x9a: {  	[tilespmem:s16], [sflag:$0x1] =	stream.indirect.gather [hbm4b:s4+s15], $0x10, s18, s15, $0xb8;
	[tilespmem:$0xA000] =	vst v63  }
0x9b: {  	_ = 	snop  }
0x9c: {  	[tilespmem:s17], [sflag:$0x5] =	stream.indirect.gather [hbm4b:s5+s15], $0x10, s20, s15, $0xb8;
	[tilespmem:$0xA000] =	vst v63  }
0x9d: {  	_ =	swait.ge [sflag:s30], $0x800  }
0x9e: {  	[sflag:s30] =	ssyncset.done $0x0  }
0x9f: {  	[sflag:s30] =	ssyncadd.s32 $0xFFFFF800  }
0xa0: {  	_ =	swait.ge [sflag:s31], $0x800  }
0xa1: {  	[sflag:s31] =	ssyncset.done $0x0  }
0xa2: {  	s10 =	simm.s32 $0x4F20;
	[sflag:s31] =	ssyncadd.s32 $0xFFFFF800  }
0xa3: {  	s18 =	simm.s32 $0x6F20;
	v1 =	vld [tilespmem:s10+$0xFFFFFFE0]  }
0xa4: {  	v3 =	vmov s19;
	v2 =	vld [tilespmem:s18+$0xFFFFFFE0]  }
0xa5: {  	v3 =	vand.u32 $0x7C, v3  }
0xa6: {  	v3 =	vadd.s32 v0, v3;
	_ =	sdelay $0x2  }
0xa7: {  	v1 =	vadd.f32 v2, v1;
	_ =	sdelay $0x1  }
0xa8: {  	[tilespmem:v3+s0+$0x0] =	vst.idx.msk $0xffff, v1  }
0xa9: {  	s24 =	simm.s32 $0x1;
	v1 =	vld [tilespmem:s10+$0xFFFFFFF0]  }
0xaa: {  	v2 =	vmov s24;
	v3 =	vld [tilespmem:s18+$0xFFFFFFF0]  }
0xab: {  	v2 =	vand.u32 $0x7D, v2  }
0xac: {  	v2 =	vadd.s32 v0, v2;
	_ =	sdelay $0x2  }
0xad: {  	v1 =	vadd.f32 v3, v1;
	_ =	sdelay $0x1  }
0xae: {  	[tilespmem:v2+s0+$0x0] =	vst.idx.msk $0xffff, v1  }
0xaf: {  	s28 =	simm.s32 $0x2;
	v1 =	vld [tilespmem:s10+$0x0]  }
0xb0: {  	v2 =	vmov s28;
	v3 =	vld [tilespmem:s18+$0x0]  }
0xb1: {  	v2 =	vand.u32 $0x7E, v2  }
0xb2: {  	v2 =	vadd.s32 v0, v2;
	_ =	sdelay $0x2  }
0xb3: {  	v1 =	vadd.f32 v3, v1  }
0xb4: {  	s29 =	simm.s32 $0x3  }
0xb5: {  	v3 =	vmov s29;
	[tilespmem:v2+s0+$0x0] =	vst.idx.msk $0xffff, v1  }
0xb6: {  	v1 =	vand.u32 $0x7F, v3;
	v2 =	vld [tilespmem:s10+$0x10]  }
0xb7: {  	s19 =	simm.s32 $0x4;
	v1 =	vadd.s32 v0, v1;
	v3 =	vld [tilespmem:s18+$0x10]  }
.LBB2_7:
0xb8: {  	_ =	sdelay $0x2  }
0xb9: {  	p1 =	slt.u32 s19, $0x7C;
	s18 =	sadd.s32 $0x40, s18;
	s10 =	sadd.s32 $0x40, s10  }
0xba: {  	s20 =	smov.u32 s19;
	s19 =	sadd.s32 $0x4, s19;
	v2 =	vadd.f32 v3, v2;
	_ =	sdelay $0x1  }
0xbb: {  	[tilespmem:v1+s0+$0x0] =	vst.idx.msk $0xffff, v2  }
0xbc: {  	v1 =	vld [tilespmem:s10+$0xFFFFFFE0]  }
0xbd: {  	v3 =	vmov s20;
	v2 =	vld [tilespmem:s18+$0xFFFFFFE0]  }
0xbe: {  	v3 =	vand.u32 $0x7C, v3  }
0xbf: {  	v3 =	vadd.s32 v0, v3;
	_ =	sdelay $0x2  }
0xc0: {  	v1 =	vadd.f32 v2, v1;
	_ =	sdelay $0x1  }
0xc1: {  	s21 =	sadd.s32 $0x1, s20;
	[tilespmem:v3+s0+$0x0] =	vst.idx.msk $0xffff, v1  }
0xc2: {  	v2 =	vmov s21;
	v1 =	vld [tilespmem:s10+$0xFFFFFFF0]  }
0xc3: {  	v2 =	vand.u32 $0x7D, v2;
	v3 =	vld [tilespmem:s18+$0xFFFFFFF0]  }
0xc4: {  	v2 =	vadd.s32 v0, v2;
	_ =	sdelay $0x3  }
0xc5: {  	v1 =	vadd.f32 v3, v1  }
0xc6: {  	s21 =	sadd.s32 $0x2, s20  }
0xc7: {  	[tilespmem:v2+s0+$0x0] =	vst.idx.msk $0xffff, v1;
	v1 =	vmov s21  }
0xc8: {  	v2 =	vld [tilespmem:s10+$0x0];
	v1 =	vand.u32 $0x7E, v1  }
0xc9: {  	v3 =	vld [tilespmem:s18+$0x0];
	v1 =	vadd.s32 v0, v1;
	_ =	sdelay $0x4  }
.Ltmp5:
0xca: {  	s20 =	sadd.s32 $0x3, s20;
	v2 =	vadd.f32 v3, v2;
	(pc) =	sbr.rel @p1 .LBB2_7-.Ltmp5, $4  }
0xcb: {  	v3 =	vmov s20  }
0xcc: {  	[tilespmem:v1+s0+$0x0] =	vst.idx.msk $0xffff, v2;
	v1 =	vand.u32 $0x7F, v3  }
0xcd: {  	v2 =	vld [tilespmem:s10+$0x10];
	v1 =	vadd.s32 v0, v1  }
0xce: {  	v3 =	vld [tilespmem:s18+$0x10]  }
0xcf: {  	_ =	sdelay $0x3  }
0xd0: {  	v2 =	vadd.f32 v3, v2;
	_ =	sdelay $0x1  }
0xd1: {  	[tilespmem:v1+s0+$0x0] =	vst.idx.msk $0xffff, v2  }
0xd2: {  	[hbm4b:s11+s3] =	stream.linear.scatter [tilespmem:s0], [sflag:$0x9], $0x80, $0x38;
	[tilespmem:$0xA000] =	vst v63  }
0xd3: {  	s10 =	sadd.s32 $0x10, s11;
	s18 =	simm.s32 $0x8F88  }
0xd4: {  	[hbm4b:s10+s3] =	stream.linear.scatter [tilespmem:s18], [sflag:$0x9], $0x80, $0x38;
	[tilespmem:$0xA000] =	vst v63  }
0xd5: {  	s23 =	sadd.s32 $0x20, s11;
	s24 =	simm.s32 $0x9010  }
0xd6: {  	[hbm4b:s23+s3] =	stream.linear.scatter [tilespmem:s24], [sflag:$0x9], $0x80, $0x38;
	[tilespmem:$0xA000] =	vst v63  }
0xd7: {  	s28 =	sadd.s32 $0x30, s11;
	s29 =	simm.s32 $0x9098  }
0xd8: {  	[hbm4b:s28+s3] =	stream.linear.scatter [tilespmem:s29], [sflag:$0x9], $0x80, $0x38;
	[tilespmem:$0xA000] =	vst v63  }
0xd9: {  	s19 =	sadd.s32 $0x40, s11;
	s20 =	simm.s32 $0x9120  }
0xda: {  	[hbm4b:s19+s3] =	stream.linear.scatter [tilespmem:s20], [sflag:$0x9], $0x80, $0x38;
	[tilespmem:$0xA000] =	vst v63  }
0xdb: {  	s21 =	sadd.s32 $0x50, s11;
	s22 =	simm.s32 $0x91A8  }
0xdc: {  	[hbm4b:s21+s3] =	stream.linear.scatter [tilespmem:s22], [sflag:$0x9], $0x80, $0x38;
	[tilespmem:$0xA000] =	vst v63  }
0xdd: {  	s23 =	sadd.s32 $0x60, s11;
	s24 =	simm.s32 $0x9230  }
0xde: {  	[hbm4b:s23+s3] =	stream.linear.scatter [tilespmem:s24], [sflag:$0x9], $0x80, $0x38;
	[tilespmem:$0xA000] =	vst v63  }
0xdf: {  	s28 =	sadd.s32 $0x70, s11;
	s29 =	simm.s32 $0x92B8  }
0xe0: {  	[hbm4b:s28+s3] =	stream.linear.scatter [tilespmem:s29], [sflag:$0x9], $0x80, $0x38;
	[tilespmem:$0xA000] =	vst v63  }
0xe1: {  	s19 =	sadd.s32 $0x80, s11;
	s20 =	simm.s32 $0x9340  }
0xe2: {  	[hbm4b:s19+s3] =	stream.linear.scatter [tilespmem:s20], [sflag:$0x9], $0x80, $0x38;
	[tilespmem:$0xA000] =	vst v63  }
0xe3: {  	s21 =	sadd.s32 $0x90, s11;
	s22 =	simm.s32 $0x93C8  }
0xe4: {  	[hbm4b:s21+s3] =	stream.linear.scatter [tilespmem:s22], [sflag:$0x9], $0x80, $0x38;
	[tilespmem:$0xA000] =	vst v63  }
0xe5: {  	s23 =	sadd.s32 $0xA0, s11;
	s24 =	simm.s32 $0x9450  }
0xe6: {  	[hbm4b:s23+s3] =	stream.linear.scatter [tilespmem:s24], [sflag:$0x9], $0x80, $0x38;
	[tilespmem:$0xA000] =	vst v63  }
0xe7: {  	s28 =	sadd.s32 $0xB0, s11;
	s29 =	simm.s32 $0x94D8  }
0xe8: {  	[hbm4b:s28+s3] =	stream.linear.scatter [tilespmem:s29], [sflag:$0x9], $0x80, $0x38;
	[tilespmem:$0xA000] =	vst v63  }
0xe9: {  	s19 =	sadd.s32 $0xC0, s11;
	s20 =	simm.s32 $0x9560  }
0xea: {  	[hbm4b:s19+s3] =	stream.linear.scatter [tilespmem:s20], [sflag:$0x9], $0x80, $0x38;
	[tilespmem:$0xA000] =	vst v63  }
0xeb: {  	s21 =	sadd.s32 $0xD0, s11;
	s22 =	simm.s32 $0x95E8  }
0xec: {  	[hbm4b:s21+s3] =	stream.linear.scatter [tilespmem:s22], [sflag:$0x9], $0x80, $0x38;
	[tilespmem:$0xA000] =	vst v63  }
0xed: {  	s23 =	sadd.s32 $0xE0, s11;
	s24 =	simm.s32 $0x9670  }
0xee: {  	[hbm4b:s23+s3] =	stream.linear.scatter [tilespmem:s24], [sflag:$0x9], $0x80, $0x38;
	[tilespmem:$0xA000] =	vst v63  }
.Ltmp6:
0xef: {  	s28 =	sadd.s32 $0xF0, s11;
	s29 =	simm.s32 $0x96F8;
	(pc) =	sbr.rel .LBB2_9-.Ltmp6, $4  }
0xf0: {  	[hbm4b:s28+s3] =	stream.linear.scatter [tilespmem:s29], [sflag:$0x9], $0x80, $0x38;
	[tilespmem:$0xA000] =	vst v63  }
0xf1: {  	_ =	swait.ge [sflag:s25], $0x800  }
0xf2: {  	[sflag:s25] =	ssyncset.done $0x0  }
0xf3: {  	[sflag:s25] =	ssyncadd.s32 $0xFFFFF800  }
.LBB2_10:
0xf4: {  	_ =	sfence.sel $0x180000  }
0xf5: {  	[bflag:$0x0] =	sbarrier.arrive $0xFFFF  }
0xf6: {  	_ =	strace $0x90000047  }
0xf7: {  	s0 =	stileid.u32;
	[bflag:$0x2] =	sbarrier.arrive $0xFFFF  }
0xf8: {  	p0 =	sne.s32 s0, $0x0;
	s0 =	rddreg [dreg:$0x2]  }
0xf9: {  	s0 =	sadd.s32 @!p0 $0x100000, s0  }
0xfa: {  	[sflag:s0] =	ssyncadd.tile.s32 @!p0 $0x1;
	_ =	shalt  }
.Lfunc_end2:
_tile_overlayer_lowered:
.L_overlay_start_2:
0xfb: {  	(tag) =	ssettag $0x2  }
0xfc: {  	s0 =	rddreg [dreg:$0x0];
	s2 =	stileid.u32  }
0xfd: {  	s1 =	rddreg [dreg:$0x1];
	p0 =	sne.s32 s2, $0x0  }
0xfe: {  	s3 =	rddreg [dreg:$0x2];
	[bflag:$0x3] =	sbarrier.arrive $0xFFFF;
	s2 =	simm.s32 @!p0 $0x1C0B  }
0xff: {  	[timem:s3], [sflag:s2] =	dma.local @!p0 [hbm:s0], s1  }
0x100: {  	s0 =	simm.s32 @!p0 $0xB  }
0x101: {  	_ =	swait.ge @!p0 [sflag:s0], s1  }
0x102: {  	s1 =	ssub.s32 @!p0 $0x0, s1;
	[sflag:s0] =	ssyncset.done @!p0 $0x0  }
0x103: {  	[sflag:s0] =	ssyncadd.s32 @!p0 s1  }
0x104: {  	[bflag:$0x3] =	sbarrier.arrive $0xFFFF  }
0x105: {  	_ =	shalt  }

</sc_bundles>
